<compile_context>
chip_gen: v7x
topology: tpu7x:2x2x1
jax: 0.10.2.dev20260603
libtpu: 0.0.44.dev20260713+nightly
codegen_flags: <defaults>
</compile_context>

<pallas_src>
import functools

import jax
import jax.numpy as jnp
from jax import lax
from jax.experimental import pallas as pl
from jax.experimental.pallas import tpu as pltpu
from jax.experimental.pallas import tpu_sc as plsc

_L = 16
_ROWS = 64
_COLS = 8192
_CHUNKS = _COLS // _L
_NW = 32
_ROWS_PER_W = _ROWS // _NW
_UNROLL = 8

_IMIN = -(2 ** 31)
_IMAXP = 2 ** 31 - 1


def _chunk_loop(body, carry):
    def outer(i, c):
        for u in range(_UNROLL):
            c = body(i * (_UNROLL * _L) + u * _L, c)
        return c
    return lax.fori_loop(0, _CHUNKS // _UNROLL, outer, carry)


def _tec_body(tok_hbm, kv_hbm, out_hbm, row_v, key_v, mask_v, kv_v):
    wid = lax.axis_index("s") * 2 + lax.axis_index("c")

    pltpu.sync_copy(kv_hbm, kv_v)
    kvec = kv_v[...]
    km1 = kvec - 1

    zeros = jnp.zeros((_L,), jnp.int32)
    ones = zeros + 1
    iota = lax.iota(jnp.int32, _L)
    delta = plsc.cumsum(ones) - iota

    for r in range(_ROWS_PER_W):
        row = wid * _ROWS_PER_W + r
        pltpu.sync_copy(tok_hbm.at[row], row_v)

        def key_body(base, c):
            x = row_v[pl.ds(base, _L)]
            b = lax.bitcast_convert_type(x, jnp.int32) ^ _IMIN
            ks = jnp.where(b < 0, b ^ _IMAXP, b)
            key_v[pl.ds(base, _L)] = ks
            return c
        _chunk_loop(key_body, zeros)
        k0 = key_v[pl.ds(0, _L)]
        key_v[pl.ds(0, _L)] = jnp.where(iota == 0, _IMIN, k0)

        def bit_body(_, st):
            pu, bit, bl = st
            cand_u = pu | bit
            cand = cand_u ^ _IMIN
            def cnt_body(base, cnt):
                m = key_v[pl.ds(base, _L)] < cand
                return cnt + plsc.all_reduce_population_count(m)
            cnt = _chunk_loop(cnt_body, zeros)
            take = cnt <= km1
            return (jnp.where(take, cand_u, pu),
                    lax.shift_right_logical(bit, ones),
                    jnp.where(take, cnt, bl))
        pu, _, count_less = lax.fori_loop(
            0, 32, bit_body, (zeros, zeros + _IMIN, zeros))
        t_key = pu ^ _IMIN
        quota = kvec - count_less

        def mask_body(base, carry):
            c = key_v[pl.ds(base, _L)]
            ltm = c < t_key
            eqm = c == t_key
            eqi = jnp.where(eqm, 1, 0)
            excl = plsc.cumsum(eqi) - eqi * delta + carry
            keep = ltm | (eqm & (excl < quota))
            mask_v[pl.ds(base, _L)] = jnp.where(keep, 1, 0)
            return carry + plsc.all_reduce_population_count(eqm)
        _chunk_loop(mask_body, zeros)

        pltpu.sync_copy(mask_v, out_hbm.at[row])


@jax.jit
def _select_mask(token_sequence, kvec):
    mesh = plsc.VectorSubcoreMesh(core_axis_name="c", subcore_axis_name="s")
    f = pl.kernel(
        _tec_body,
        out_type=jax.ShapeDtypeStruct((_ROWS, _COLS), jnp.int32),
        mesh=mesh,
        scratch_types=[
            pltpu.VMEM((_COLS,), jnp.float32),
            pltpu.VMEM((_COLS,), jnp.int32),
            pltpu.VMEM((_COLS,), jnp.int32),
            pltpu.VMEM((_L,), jnp.int32),
        ],
        compiler_params=pltpu.CompilerParams(needs_layout_passes=False),
    )
    return f(token_sequence, kvec)


def kernel(token_sequence, embedding_sequence, compression_rate):
    seq_len = token_sequence.shape[1]
    c = compression_rate.reshape(-1)[0]
    scaled = seq_len * c
    fs = jnp.floor(scaled)
    k = jnp.where(scaled == fs, seq_len - fs, seq_len - fs - 1.0).astype(jnp.int32)
    k = jnp.maximum(k, 1)
    kvec = jnp.broadcast_to(k, (_L,)).astype(jnp.int32)
    mask = _select_mask(token_sequence, kvec)
    y = mask.astype(bool)
    return (y, y)

# --- scband reference (transcript-rebuilt; emitter-appended) ---
"""Pipeline reference for scband-frequency-compression-module-20753281974885 (READ-ONLY COPY).

The authoritative reference and input builder live on the scoring server;
editing this copy changes nothing except your own understanding.
"""

import jax, jax.numpy as jnp
import numpy as np


def select_k(y_soft, k, keep_first_unit=True):
    if keep_first_unit:
        y_soft = y_soft.at[:, 0].set(y_soft.min() - 1.0)
    # torch: _, sorted_idx = y_soft.sort(); _, sorted_idx = sorted_idx.sort()
    # double argsort yields the rank of each element along the last dim
    sorted_idx = jnp.argsort(y_soft, axis=-1)
    ranks = jnp.argsort(sorted_idx, axis=-1)
    y_hard = ranks < k
    return y_hard


def setup_inputs(seed: int = 0) -> dict:
    key = jax.random.key(seed)
    k1, k2, k3 = jax.random.split(key, 3)
    token_sequence = jax.random.normal(k1, (64, 8192), dtype=jnp.float32)
    embedding_sequence = jax.random.normal(k2, (64, 8192, 64), dtype=jnp.float32)
    compression_rate = jax.random.uniform(k3, (1,), dtype=jnp.float32)
    return {
        "token_sequence": token_sequence,
        "embedding_sequence": embedding_sequence,
        "compression_rate": compression_rate,
    }


def reference(token_sequence, embedding_sequence, compression_rate):
    seq_len = token_sequence.shape[1]
    c = compression_rate.reshape(-1)[0]
    scaled = seq_len * c
    floor_scaled = jnp.floor(scaled)
    remain_tokens_num = jnp.where(
        scaled == floor_scaled,
        seq_len - floor_scaled,
        seq_len - floor_scaled - 1.0,
    ).astype(jnp.int32)
    remain_tokens_num = jnp.maximum(remain_tokens_num, 1)
    y_hard = select_k(-token_sequence, remain_tokens_num, keep_first_unit=True)
    return (y_hard, y_hard)

if __name__ == "__main__":
    import jax
    _d = setup_inputs()
    print(jax.jit(kernel)(*tuple(_d.values())))

</pallas_src>

<mosaic_0001>
#map = affine_map<(d0, d1) -> (0, 0)>
#map1 = affine_map<(d0, d1) -> (0)>
module attributes {stable_mosaic.version = 14 : i64} {
  func.func @_tec_body(%arg0: i32, %arg1: i32, %arg2: memref<64x8192xf32, #tpu.memory_space<hbm>>, %arg3: memref<16xi32, #tpu.memory_space<hbm>>, %arg4: memref<64x8192xi32, #tpu.memory_space<hbm>>, %arg5: memref<8192xf32, #tpu.memory_space<vmem>>, %arg6: memref<8192xi32, #tpu.memory_space<vmem>>, %arg7: memref<8192xi32, #tpu.memory_space<vmem>>, %arg8: memref<16xi32, #tpu.memory_space<vmem>>) attributes {dimension_semantics = [#tpu.dimension_semantics<core_parallel>, #tpu.dimension_semantics<subcore_parallel>], iteration_bounds = array<i64: 2, 16>, scalar_prefetch = 0 : i64, scratch_operands = 4 : i64, tpu.core_type = #tpu.core_type<sc_vector_subcore>, window_params = [{transform_indices = #map}, {transform_indices = #map1}, {transform_indices = #map}]} {
    %mul3A = arith.constant 2 : i32
    %mul3A_0 = arith.muli %arg1, %mul3A : i32
    %add3A = arith.addi %mul3A_0, %arg0 : i32
    "tpu.region"() ({
      %run_scoped3A = tpu.sem_alloc : memref<!tpu.dma_semaphore, #tpu.memory_space<semaphore_mem>>
      tpu.enqueue_dma source(%arg3 : memref<16xi32, #tpu.memory_space<hbm>>) target(%arg8 : memref<16xi32, #tpu.memory_space<vmem>>) target_semaphore(%run_scoped3A : memref<!tpu.dma_semaphore, #tpu.memory_space<semaphore_mem>>)
      tpu.wait_dma2 semaphore(%run_scoped3A : memref<!tpu.dma_semaphore, #tpu.memory_space<semaphore_mem>>) src(%arg3 : memref<16xi32, #tpu.memory_space<hbm>>) dst(%arg8 : memref<16xi32, #tpu.memory_space<vmem>>)
      tpu.yield
    }) : () -> ()
    %get3A = arith.constant 0 : index
    %get3A_1 = tpu.vector_load %arg8[%get3A] {strides = array<i32>} : memref<16xi32, #tpu.memory_space<vmem>>, vector<16xi32>,
    %sub3A = arith.constant 1 : i32
    %sub3A_2 = vector.broadcast %sub3A : i32 to vector<16xi32>
    %sub3A_3 = arith.subi %get3A_1, %sub3A_2 : vector<16xi32>
    %broadcast_in_dim3A = arith.constant 0 : i32
    %broadcast_in_dim3A_4 = vector.broadcast %broadcast_in_dim3A : i32 to vector<16xi32>
    %add3A_5 = arith.constant 1 : i32
    %add3A_6 = vector.broadcast %add3A_5 : i32 to vector<16xi32>
    %add3A_7 = arith.addi %broadcast_in_dim3A_4, %add3A_6 : vector<16xi32>
    %iota3A = tpu.iota {dimensions = array<i32: 0>} : vector<16xi32>
    %broadcast_in_dim3A_8 = arith.constant true
    %broadcast_in_dim3A_9 = vector.broadcast %broadcast_in_dim3A_8 : i1 to vector<16xi1>
    %masked_cumsum3A = tpu.scan <sum>, %add3A_7 masked %broadcast_in_dim3A_9 : vector<16xi32>, vector<16xi1> -> vector<16xi32>
    %sub3A_10 = arith.subi %masked_cumsum3A, %iota3A : vector<16xi32>
    %mul3A_11 = arith.constant 2 : i32
    %mul3A_12 = arith.muli %add3A, %mul3A_11 : i32
    %add3A_13 = arith.constant 0 : i32
    %add3A_14 = arith.addi %mul3A_12, %add3A_13 : i32
    "tpu.region"() ({
      %run_scoped3A = tpu.sem_alloc : memref<!tpu.dma_semaphore, #tpu.memory_space<semaphore_mem>>
      %dma_start3A = arith.constant 0 : i32
      %dma_start3A_81 = tpu.memref_slice %arg2[%add3A_14, %dma_start3A] : memref<64x8192xf32, #tpu.memory_space<hbm>> -> memref<1x8192xf32, #tpu.memory_space<hbm>>
      %dma_start3A_82 = tpu.memref_squeeze %dma_start3A_81 : memref<1x8192xf32, #tpu.memory_space<hbm>> -> memref<8192xf32, #tpu.memory_space<hbm>>
      %dma_start3A_83 = arith.constant 0 : i32
      %dma_start3A_84 = tpu.memref_slice %arg2[%add3A_14, %dma_start3A_83] : memref<64x8192xf32, #tpu.memory_space<hbm>> -> memref<1x8192xf32, #tpu.memory_space<hbm>>
      %dma_start3A_85 = tpu.memref_squeeze %dma_start3A_84 : memref<1x8192xf32, #tpu.memory_space<hbm>> -> memref<8192xf32, #tpu.memory_space<hbm>>
      tpu.enqueue_dma source(%dma_start3A_85 : memref<8192xf32, #tpu.memory_space<hbm>>) target(%arg5 : memref<8192xf32, #tpu.memory_space<vmem>>) target_semaphore(%run_scoped3A : memref<!tpu.dma_semaphore, #tpu.memory_space<semaphore_mem>>)
      %dma_wait3A = arith.constant 0 : i32
      %dma_wait3A_86 = tpu.memref_slice %arg2[%add3A_14, %dma_wait3A] : memref<64x8192xf32, #tpu.memory_space<hbm>> -> memref<1x8192xf32, #tpu.memory_space<hbm>>
      %dma_wait3A_87 = tpu.memref_squeeze %dma_wait3A_86 : memref<1x8192xf32, #tpu.memory_space<hbm>> -> memref<8192xf32, #tpu.memory_space<hbm>>
      %dma_wait3A_88 = arith.constant 0 : i32
      %dma_wait3A_89 = tpu.memref_slice %arg2[%add3A_14, %dma_wait3A_88] : memref<64x8192xf32, #tpu.memory_space<hbm>> -> memref<1x8192xf32, #tpu.memory_space<hbm>>
      %dma_wait3A_90 = tpu.memref_squeeze %dma_wait3A_89 : memref<1x8192xf32, #tpu.memory_space<hbm>> -> memref<8192xf32, #tpu.memory_space<hbm>>
      tpu.wait_dma2 semaphore(%run_scoped3A : memref<!tpu.dma_semaphore, #tpu.memory_space<semaphore_mem>>) src(%dma_wait3A_90 : memref<8192xf32, #tpu.memory_space<hbm>>) dst(%arg5 : memref<8192xf32, #tpu.memory_space<vmem>>)
      tpu.yield
    }) : () -> ()
    %scan3A = arith.constant 0 : i32
    %scan3A_15 = arith.constant 64 : i32
    %scan3A_16 = arith.addi %scan3A, %scan3A_15 : i32
    %scan3A_17 = arith.constant 1 : i32
    scf.for %scan3A_81 = %scan3A to %scan3A_16 step %scan3A_17  : i32 {
      %mul3A_82 = arith.constant 128 : i32
      %mul3A_83 = arith.muli %scan3A_81, %mul3A_82 : i32
      %add3A_84 = arith.constant 0 : i32
      %add3A_85 = arith.addi %mul3A_83, %add3A_84 : i32
      %get3A_86 = arith.index_cast %add3A_85 : i32 to index
      %get3A_87 = tpu.vector_load %arg5[%get3A_86] {strides = array<i32>} : memref<8192xf32, #tpu.memory_space<vmem>>, vector<16xf32>,
      %bitcast_convert_type3A = tpu.bitcast %get3A_87 : vector<16xf32> -> vector<16xi32>
      %xor3A_88 = arith.constant -2147483648 : i32
      %xor3A_89 = vector.broadcast %xor3A_88 : i32 to vector<16xi32>
      %xor3A_90 = arith.xori %bitcast_convert_type3A, %xor3A_89 : vector<16xi32>
      %lt3A = arith.constant 0 : i32
      %lt3A_91 = vector.broadcast %lt3A : i32 to vector<16xi32>
      %lt3A_92 = arith.cmpi slt, %xor3A_90, %lt3A_91 : vector<16xi32>
      %xor3A_93 = arith.constant 2147483647 : i32
      %xor3A_94 = vector.broadcast %xor3A_93 : i32 to vector<16xi32>
      %xor3A_95 = arith.xori %xor3A_90, %xor3A_94 : vector<16xi32>
      %select_n3A_96 = arith.select %lt3A_92, %xor3A_95, %xor3A_90 : vector<16xi1>, vector<16xi32>
      %swap3A_97 = arith.index_cast %add3A_85 : i32 to index
      %swap3A_98 = tpu.vector_load %arg6[%swap3A_97] {strides = array<i32>} : memref<8192xi32, #tpu.memory_space<vmem>>, vector<16xi32>,
      tpu.vector_store %arg6[%swap3A_97], %select_n3A_96 {strides = array<i32>} : memref<8192xi32, #tpu.memory_space<vmem>>, vector<16xi32>,
      %mul3A_99 = arith.constant 128 : i32
      %mul3A_100 = arith.muli %scan3A_81, %mul3A_99 : i32
      %add3A_101 = arith.constant 16 : i32
      %add3A_102 = arith.addi %mul3A_100, %add3A_101 : i32
      %get3A_103 = arith.index_cast %add3A_102 : i32 to index
      %get3A_104 = tpu.vector_load %arg5[%get3A_103] {strides = array<i32>} : memref<8192xf32, #tpu.memory_space<vmem>>, vector<16xf32>,
      %bitcast_convert_type3A_105 = tpu.bitcast %get3A_104 : vector<16xf32> -> vector<16xi32>
      %xor3A_106 = arith.constant -2147483648 : i32
      %xor3A_107 = vector.broadcast %xor3A_106 : i32 to vector<16xi32>
      %xor3A_108 = arith.xori %bitcast_convert_type3A_105, %xor3A_107 : vector<16xi32>
      %lt3A_109 = arith.constant 0 : i32
      %lt3A_110 = vector.broadcast %lt3A_109 : i32 to vector<16xi32>
      %lt3A_111 = arith.cmpi slt, %xor3A_108, %lt3A_110 : vector<16xi32>
      %xor3A_112 = arith.constant 2147483647 : i32
      %xor3A_113 = vector.broadcast %xor3A_112 : i32 to vector<16xi32>
      %xor3A_114 = arith.xori %xor3A_108, %xor3A_113 : vector<16xi32>
      %select_n3A_115 = arith.select %lt3A_111, %xor3A_114, %xor3A_108 : vector<16xi1>, vector<16xi32>
      %swap3A_116 = arith.index_cast %add3A_102 : i32 to index
      %swap3A_117 = tpu.vector_load %arg6[%swap3A_116] {strides = array<i32>} : memref<8192xi32, #tpu.memory_space<vmem>>, vector<16xi32>,
      tpu.vector_store %arg6[%swap3A_116], %select_n3A_115 {strides = array<i32>} : memref<8192xi32, #tpu.memory_space<vmem>>, vector<16xi32>,
      %mul3A_118 = arith.constant 128 : i32
      %mul3A_119 = arith.muli %scan3A_81, %mul3A_118 : i32
      %add3A_120 = arith.constant 32 : i32
      %add3A_121 = arith.addi %mul3A_119, %add3A_120 : i32
      %get3A_122 = arith.index_cast %add3A_121 : i32 to index
      %get3A_123 = tpu.vector_load %arg5[%get3A_122] {strides = array<i32>} : memref<8192xf32, #tpu.memory_space<vmem>>, vector<16xf32>,
      %bitcast_convert_type3A_124 = tpu.bitcast %get3A_123 : vector<16xf32> -> vector<16xi32>
      %xor3A_125 = arith.constant -2147483648 : i32
      %xor3A_126 = vector.broadcast %xor3A_125 : i32 to vector<16xi32>
      %xor3A_127 = arith.xori %bitcast_convert_type3A_124, %xor3A_126 : vector<16xi32>
      %lt3A_128 = arith.constant 0 : i32
      %lt3A_129 = vector.broadcast %lt3A_128 : i32 to vector<16xi32>
      %lt3A_130 = arith.cmpi slt, %xor3A_127, %lt3A_129 : vector<16xi32>
      %xor3A_131 = arith.constant 2147483647 : i32
      %xor3A_132 = vector.broadcast %xor3A_131 : i32 to vector<16xi32>
      %xor3A_133 = arith.xori %xor3A_127, %xor3A_132 : vector<16xi32>
      %select_n3A_134 = arith.select %lt3A_130, %xor3A_133, %xor3A_127 : vector<16xi1>, vector<16xi32>
      %swap3A_135 = arith.index_cast %add3A_121 : i32 to index
      %swap3A_136 = tpu.vector_load %arg6[%swap3A_135] {strides = array<i32>} : memref<8192xi32, #tpu.memory_space<vmem>>, vector<16xi32>,
      tpu.vector_store %arg6[%swap3A_135], %select_n3A_134 {strides = array<i32>} : memref<8192xi32, #tpu.memory_space<vmem>>, vector<16xi32>,
      %mul3A_137 = arith.constant 128 : i32
      %mul3A_138 = arith.muli %scan3A_81, %mul3A_137 : i32
      %add3A_139 = arith.constant 48 : i32
      %add3A_140 = arith.addi %mul3A_138, %add3A_139 : i32
      %get3A_141 = arith.index_cast %add3A_140 : i32 to index
      %get3A_142 = tpu.vector_load %arg5[%get3A_141] {strides = array<i32>} : memref<8192xf32, #tpu.memory_space<vmem>>, vector<16xf32>,
      %bitcast_convert_type3A_143 = tpu.bitcast %get3A_142 : vector<16xf32> -> vector<16xi32>
      %xor3A_144 = arith.constant -2147483648 : i32
      %xor3A_145 = vector.broadcast %xor3A_144 : i32 to vector<16xi32>
      %xor3A_146 = arith.xori %bitcast_convert_type3A_143, %xor3A_145 : vector<16xi32>
      %lt3A_147 = arith.constant 0 : i32
      %lt3A_148 = vector.broadcast %lt3A_147 : i32 to vector<16xi32>
      %lt3A_149 = arith.cmpi slt, %xor3A_146, %lt3A_148 : vector<16xi32>
      %xor3A_150 = arith.constant 2147483647 : i32
      %xor3A_151 = vector.broadcast %xor3A_150 : i32 to vector<16xi32>
      %xor3A_152 = arith.xori %xor3A_146, %xor3A_151 : vector<16xi32>
      %select_n3A_153 = arith.select %lt3A_149, %xor3A_152, %xor3A_146 : vector<16xi1>, vector<16xi32>
      %swap3A_154 = arith.index_cast %add3A_140 : i32 to index
      %swap3A_155 = tpu.vector_load %arg6[%swap3A_154] {strides = array<i32>} : memref<8192xi32, #tpu.memory_space<vmem>>, vector<16xi32>,
      tpu.vector_store %arg6[%swap3A_154], %select_n3A_153 {strides = array<i32>} : memref<8192xi32, #tpu.memory_space<vmem>>, vector<16xi32>,
      %mul3A_156 = arith.constant 128 : i32
      %mul3A_157 = arith.muli %scan3A_81, %mul3A_156 : i32
      %add3A_158 = arith.constant 64 : i32
      %add3A_159 = arith.addi %mul3A_157, %add3A_158 : i32
      %get3A_160 = arith.index_cast %add3A_159 : i32 to index
      %get3A_161 = tpu.vector_load %arg5[%get3A_160] {strides = array<i32>} : memref<8192xf32, #tpu.memory_space<vmem>>, vector<16xf32>,
      %bitcast_convert_type3A_162 = tpu.bitcast %get3A_161 : vector<16xf32> -> vector<16xi32>
      %xor3A_163 = arith.constant -2147483648 : i32
      %xor3A_164 = vector.broadcast %xor3A_163 : i32 to vector<16xi32>
      %xor3A_165 = arith.xori %bitcast_convert_type3A_162, %xor3A_164 : vector<16xi32>
      %lt3A_166 = arith.constant 0 : i32
      %lt3A_167 = vector.broadcast %lt3A_166 : i32 to vector<16xi32>
      %lt3A_168 = arith.cmpi slt, %xor3A_165, %lt3A_167 : vector<16xi32>
      %xor3A_169 = arith.constant 2147483647 : i32
      %xor3A_170 = vector.broadcast %xor3A_169 : i32 to vector<16xi32>
      %xor3A_171 = arith.xori %xor3A_165, %xor3A_170 : vector<16xi32>
      %select_n3A_172 = arith.select %lt3A_168, %xor3A_171, %xor3A_165 : vector<16xi1>, vector<16xi32>
      %swap3A_173 = arith.index_cast %add3A_159 : i32 to index
      %swap3A_174 = tpu.vector_load %arg6[%swap3A_173] {strides = array<i32>} : memref<8192xi32, #tpu.memory_space<vmem>>, vector<16xi32>,
      tpu.vector_store %arg6[%swap3A_173], %select_n3A_172 {strides = array<i32>} : memref<8192xi32, #tpu.memory_space<vmem>>, vector<16xi32>,
      %mul3A_175 = arith.constant 128 : i32
      %mul3A_176 = arith.muli %scan3A_81, %mul3A_175 : i32
      %add3A_177 = arith.constant 80 : i32
      %add3A_178 = arith.addi %mul3A_176, %add3A_177 : i32
      %get3A_179 = arith.index_cast %add3A_178 : i32 to index
      %get3A_180 = tpu.vector_load %arg5[%get3A_179] {strides = array<i32>} : memref<8192xf32, #tpu.memory_space<vmem>>, vector<16xf32>,
      %bitcast_convert_type3A_181 = tpu.bitcast %get3A_180 : vector<16xf32> -> vector<16xi32>
      %xor3A_182 = arith.constant -2147483648 : i32
      %xor3A_183 = vector.broadcast %xor3A_182 : i32 to vector<16xi32>
      %xor3A_184 = arith.xori %bitcast_convert_type3A_181, %xor3A_183 : vector<16xi32>
      %lt3A_185 = arith.constant 0 : i32
      %lt3A_186 = vector.broadcast %lt3A_185 : i32 to vector<16xi32>
      %lt3A_187 = arith.cmpi slt, %xor3A_184, %lt3A_186 : vector<16xi32>
      %xor3A_188 = arith.constant 2147483647 : i32
      %xor3A_189 = vector.broadcast %xor3A_188 : i32 to vector<16xi32>
      %xor3A_190 = arith.xori %xor3A_184, %xor3A_189 : vector<16xi32>
      %select_n3A_191 = arith.select %lt3A_187, %xor3A_190, %xor3A_184 : vector<16xi1>, vector<16xi32>
      %swap3A_192 = arith.index_cast %add3A_178 : i32 to index
      %swap3A_193 = tpu.vector_load %arg6[%swap3A_192] {strides = array<i32>} : memref<8192xi32, #tpu.memory_space<vmem>>, vector<16xi32>,
      tpu.vector_store %arg6[%swap3A_192], %select_n3A_191 {strides = array<i32>} : memref<8192xi32, #tpu.memory_space<vmem>>, vector<16xi32>,
      %mul3A_194 = arith.constant 128 : i32
      %mul3A_195 = arith.muli %scan3A_81, %mul3A_194 : i32
      %add3A_196 = arith.constant 96 : i32
      %add3A_197 = arith.addi %mul3A_195, %add3A_196 : i32
      %get3A_198 = arith.index_cast %add3A_197 : i32 to index
      %get3A_199 = tpu.vector_load %arg5[%get3A_198] {strides = array<i32>} : memref<8192xf32, #tpu.memory_space<vmem>>, vector<16xf32>,
      %bitcast_convert_type3A_200 = tpu.bitcast %get3A_199 : vector<16xf32> -> vector<16xi32>
      %xor3A_201 = arith.constant -2147483648 : i32
      %xor3A_202 = vector.broadcast %xor3A_201 : i32 to vector<16xi32>
      %xor3A_203 = arith.xori %bitcast_convert_type3A_200, %xor3A_202 : vector<16xi32>
      %lt3A_204 = arith.constant 0 : i32
      %lt3A_205 = vector.broadcast %lt3A_204 : i32 to vector<16xi32>
      %lt3A_206 = arith.cmpi slt, %xor3A_203, %lt3A_205 : vector<16xi32>
      %xor3A_207 = arith.constant 2147483647 : i32
      %xor3A_208 = vector.broadcast %xor3A_207 : i32 to vector<16xi32>
      %xor3A_209 = arith.xori %xor3A_203, %xor3A_208 : vector<16xi32>
      %select_n3A_210 = arith.select %lt3A_206, %xor3A_209, %xor3A_203 : vector<16xi1>, vector<16xi32>
      %swap3A_211 = arith.index_cast %add3A_197 : i32 to index
      %swap3A_212 = tpu.vector_load %arg6[%swap3A_211] {strides = array<i32>} : memref<8192xi32, #tpu.memory_space<vmem>>, vector<16xi32>,
      tpu.vector_store %arg6[%swap3A_211], %select_n3A_210 {strides = array<i32>} : memref<8192xi32, #tpu.memory_space<vmem>>, vector<16xi32>,
      %mul3A_213 = arith.constant 128 : i32
      %mul3A_214 = arith.muli %scan3A_81, %mul3A_213 : i32
      %add3A_215 = arith.constant 112 : i32
      %add3A_216 = arith.addi %mul3A_214, %add3A_215 : i32
      %get3A_217 = arith.index_cast %add3A_216 : i32 to index
      %get3A_218 = tpu.vector_load %arg5[%get3A_217] {strides = array<i32>} : memref<8192xf32, #tpu.memory_space<vmem>>, vector<16xf32>,
      %bitcast_convert_type3A_219 = tpu.bitcast %get3A_218 : vector<16xf32> -> vector<16xi32>
      %xor3A_220 = arith.constant -2147483648 : i32
      %xor3A_221 = vector.broadcast %xor3A_220 : i32 to vector<16xi32>
      %xor3A_222 = arith.xori %bitcast_convert_type3A_219, %xor3A_221 : vector<16xi32>
      %lt3A_223 = arith.constant 0 : i32
      %lt3A_224 = vector.broadcast %lt3A_223 : i32 to vector<16xi32>
      %lt3A_225 = arith.cmpi slt, %xor3A_222, %lt3A_224 : vector<16xi32>
      %xor3A_226 = arith.constant 2147483647 : i32
      %xor3A_227 = vector.broadcast %xor3A_226 : i32 to vector<16xi32>
      %xor3A_228 = arith.xori %xor3A_222, %xor3A_227 : vector<16xi32>
      %select_n3A_229 = arith.select %lt3A_225, %xor3A_228, %xor3A_222 : vector<16xi1>, vector<16xi32>
      %swap3A_230 = arith.index_cast %add3A_216 : i32 to index
      %swap3A_231 = tpu.vector_load %arg6[%swap3A_230] {strides = array<i32>} : memref<8192xi32, #tpu.memory_space<vmem>>, vector<16xi32>,
      tpu.vector_store %arg6[%swap3A_230], %select_n3A_229 {strides = array<i32>} : memref<8192xi32, #tpu.memory_space<vmem>>, vector<16xi32>,
    }
    %scan3A_18 = arith.constant 64 : i32
    %get3A_19 = arith.constant 0 : index
    %get3A_20 = tpu.vector_load %arg6[%get3A_19] {strides = array<i32>} : memref<8192xi32, #tpu.memory_space<vmem>>, vector<16xi32>,
    %eq3A = arith.constant 0 : i32
    %eq3A_21 = vector.broadcast %eq3A : i32 to vector<16xi32>
    %eq3A_22 = arith.cmpi eq, %iota3A, %eq3A_21 : vector<16xi32>
    %jit3A = arith.constant -2147483648 : i32
    %broadcast_in_dim3A_23 = vector.broadcast %jit3A : i32 to vector<16xi32>
    %select_n3A = arith.select %eq3A_22, %broadcast_in_dim3A_23, %get3A_20 : vector<16xi1>, vector<16xi32>
    %swap3A = arith.constant 0 : index
    %swap3A_24 = tpu.vector_load %arg6[%swap3A] {strides = array<i32>} : memref<8192xi32, #tpu.memory_space<vmem>>, vector<16xi32>,
    tpu.vector_store %arg6[%swap3A], %select_n3A {strides = array<i32>} : memref<8192xi32, #tpu.memory_space<vmem>>, vector<16xi32>,
    %add3A_25 = arith.constant -2147483648 : i32
    %add3A_26 = vector.broadcast %add3A_25 : i32 to vector<16xi32>
    %add3A_27 = arith.addi %broadcast_in_dim3A_4, %add3A_26 : vector<16xi32>
    %scan3A_28 = arith.constant 0 : i32
    %scan3A_29 = arith.constant 32 : i32
    %scan3A_30 = arith.addi %scan3A_28, %scan3A_29 : i32
    %scan3A_31 = arith.constant 1 : i32
    %scan3A_32:3 = scf.for %scan3A_81 = %scan3A_28 to %scan3A_30 step %scan3A_31 iter_args(%scan3A_82 = %broadcast_in_dim3A_4, %scan3A_83 = %add3A_27, %scan3A_84 = %broadcast_in_dim3A_4) -> (vector<16xi32>, vector<16xi32>, vector<16xi32>)  : i32 {
      %or3A = arith.ori %scan3A_82, %scan3A_83 : vector<16xi32>
      %xor3A_85 = arith.constant -2147483648 : i32
      %xor3A_86 = vector.broadcast %xor3A_85 : i32 to vector<16xi32>
      %xor3A_87 = arith.xori %or3A, %xor3A_86 : vector<16xi32>
      %scan3A_88 = arith.constant 0 : i32
      %scan3A_89 = arith.constant 64 : i32
      %scan3A_90 = arith.addi %scan3A_88, %scan3A_89 : i32
      %scan3A_91 = arith.constant 1 : i32
      %scan3A_92 = scf.for %scan3A_96 = %scan3A_88 to %scan3A_90 step %scan3A_91 iter_args(%scan3A_97 = %broadcast_in_dim3A_4) -> (vector<16xi32>)  : i32 {
        %mul3A_98 = arith.constant 128 : i32
        %mul3A_99 = arith.muli %scan3A_96, %mul3A_98 : i32
        %add3A_100 = arith.constant 0 : i32
        %add3A_101 = arith.addi %mul3A_99, %add3A_100 : i32
        %get3A_102 = arith.index_cast %add3A_101 : i32 to index
        %get3A_103 = tpu.vector_load %arg6[%get3A_102] {strides = array<i32>} : memref<8192xi32, #tpu.memory_space<vmem>>, vector<16xi32>,
        %lt3A = arith.cmpi slt, %get3A_103, %xor3A_87 : vector<16xi32>
        %all_reduce_population_count3A = tpu.all_reduce %lt3A {dim = 0 : i64, kind = #tpu.reduction_kind<sum>} : vector<16xi1> -> vector<16xi32>
        %add3A_104 = arith.addi %scan3A_97, %all_reduce_population_count3A : vector<16xi32>
        %mul3A_105 = arith.constant 128 : i32
        %mul3A_106 = arith.muli %scan3A_96, %mul3A_105 : i32
        %add3A_107 = arith.constant 16 : i32
        %add3A_108 = arith.addi %mul3A_106, %add3A_107 : i32
        %get3A_109 = arith.index_cast %add3A_108 : i32 to index
        %get3A_110 = tpu.vector_load %arg6[%get3A_109] {strides = array<i32>} : memref<8192xi32, #tpu.memory_space<vmem>>, vector<16xi32>,
        %lt3A_111 = arith.cmpi slt, %get3A_110, %xor3A_87 : vector<16xi32>
        %all_reduce_population_count3A_112 = tpu.all_reduce %lt3A_111 {dim = 0 : i64, kind = #tpu.reduction_kind<sum>} : vector<16xi1> -> vector<16xi32>
        %add3A_113 = arith.addi %add3A_104, %all_reduce_population_count3A_112 : vector<16xi32>
        %mul3A_114 = arith.constant 128 : i32
        %mul3A_115 = arith.muli %scan3A_96, %mul3A_114 : i32
        %add3A_116 = arith.constant 32 : i32
        %add3A_117 = arith.addi %mul3A_115, %add3A_116 : i32
        %get3A_118 = arith.index_cast %add3A_117 : i32 to index
        %get3A_119 = tpu.vector_load %arg6[%get3A_118] {strides = array<i32>} : memref<8192xi32, #tpu.memory_space<vmem>>, vector<16xi32>,
        %lt3A_120 = arith.cmpi slt, %get3A_119, %xor3A_87 : vector<16xi32>
        %all_reduce_population_count3A_121 = tpu.all_reduce %lt3A_120 {dim = 0 : i64, kind = #tpu.reduction_kind<sum>} : vector<16xi1> -> vector<16xi32>
        %add3A_122 = arith.addi %add3A_113, %all_reduce_population_count3A_121 : vector<16xi32>
        %mul3A_123 = arith.constant 128 : i32
        %mul3A_124 = arith.muli %scan3A_96, %mul3A_123 : i32
        %add3A_125 = arith.constant 48 : i32
        %add3A_126 = arith.addi %mul3A_124, %add3A_125 : i32
        %get3A_127 = arith.index_cast %add3A_126 : i32 to index
        %get3A_128 = tpu.vector_load %arg6[%get3A_127] {strides = array<i32>} : memref<8192xi32, #tpu.memory_space<vmem>>, vector<16xi32>,
        %lt3A_129 = arith.cmpi slt, %get3A_128, %xor3A_87 : vector<16xi32>
        %all_reduce_population_count3A_130 = tpu.all_reduce %lt3A_129 {dim = 0 : i64, kind = #tpu.reduction_kind<sum>} : vector<16xi1> -> vector<16xi32>
        %add3A_131 = arith.addi %add3A_122, %all_reduce_population_count3A_130 : vector<16xi32>
        %mul3A_132 = arith.constant 128 : i32
        %mul3A_133 = arith.muli %scan3A_96, %mul3A_132 : i32
        %add3A_134 = arith.constant 64 : i32
        %add3A_135 = arith.addi %mul3A_133, %add3A_134 : i32
        %get3A_136 = arith.index_cast %add3A_135 : i32 to index
        %get3A_137 = tpu.vector_load %arg6[%get3A_136] {strides = array<i32>} : memref<8192xi32, #tpu.memory_space<vmem>>, vector<16xi32>,
        %lt3A_138 = arith.cmpi slt, %get3A_137, %xor3A_87 : vector<16xi32>
        %all_reduce_population_count3A_139 = tpu.all_reduce %lt3A_138 {dim = 0 : i64, kind = #tpu.reduction_kind<sum>} : vector<16xi1> -> vector<16xi32>
        %add3A_140 = arith.addi %add3A_131, %all_reduce_population_count3A_139 : vector<16xi32>
        %mul3A_141 = arith.constant 128 : i32
        %mul3A_142 = arith.muli %scan3A_96, %mul3A_141 : i32
        %add3A_143 = arith.constant 80 : i32
        %add3A_144 = arith.addi %mul3A_142, %add3A_143 : i32
        %get3A_145 = arith.index_cast %add3A_144 : i32 to index
        %get3A_146 = tpu.vector_load %arg6[%get3A_145] {strides = array<i32>} : memref<8192xi32, #tpu.memory_space<vmem>>, vector<16xi32>,
        %lt3A_147 = arith.cmpi slt, %get3A_146, %xor3A_87 : vector<16xi32>
        %all_reduce_population_count3A_148 = tpu.all_reduce %lt3A_147 {dim = 0 : i64, kind = #tpu.reduction_kind<sum>} : vector<16xi1> -> vector<16xi32>
        %add3A_149 = arith.addi %add3A_140, %all_reduce_population_count3A_148 : vector<16xi32>
        %mul3A_150 = arith.constant 128 : i32
        %mul3A_151 = arith.muli %scan3A_96, %mul3A_150 : i32
        %add3A_152 = arith.constant 96 : i32
        %add3A_153 = arith.addi %mul3A_151, %add3A_152 : i32
        %get3A_154 = arith.index_cast %add3A_153 : i32 to index
        %get3A_155 = tpu.vector_load %arg6[%get3A_154] {strides = array<i32>} : memref<8192xi32, #tpu.memory_space<vmem>>, vector<16xi32>,
        %lt3A_156 = arith.cmpi slt, %get3A_155, %xor3A_87 : vector<16xi32>
        %all_reduce_population_count3A_157 = tpu.all_reduce %lt3A_156 {dim = 0 : i64, kind = #tpu.reduction_kind<sum>} : vector<16xi1> -> vector<16xi32>
        %add3A_158 = arith.addi %add3A_149, %all_reduce_population_count3A_157 : vector<16xi32>
        %mul3A_159 = arith.constant 128 : i32
        %mul3A_160 = arith.muli %scan3A_96, %mul3A_159 : i32
        %add3A_161 = arith.constant 112 : i32
        %add3A_162 = arith.addi %mul3A_160, %add3A_161 : i32
        %get3A_163 = arith.index_cast %add3A_162 : i32 to index
        %get3A_164 = tpu.vector_load %arg6[%get3A_163] {strides = array<i32>} : memref<8192xi32, #tpu.memory_space<vmem>>, vector<16xi32>,
        %lt3A_165 = arith.cmpi slt, %get3A_164, %xor3A_87 : vector<16xi32>
        %all_reduce_population_count3A_166 = tpu.all_reduce %lt3A_165 {dim = 0 : i64, kind = #tpu.reduction_kind<sum>} : vector<16xi1> -> vector<16xi32>
        %add3A_167 = arith.addi %add3A_158, %all_reduce_population_count3A_166 : vector<16xi32>
        scf.yield %add3A_167 : vector<16xi32>
      }
      %scan3A_93 = arith.constant 64 : i32
      %le3A = arith.cmpi sle, %scan3A_92, %sub3A_3 : vector<16xi32>
      %select_n3A_94 = arith.select %le3A, %or3A, %scan3A_82 : vector<16xi1>, vector<16xi32>
      %shift_right_logical3A = arith.shrui %scan3A_83, %add3A_7 : vector<16xi32>
      %select_n3A_95 = arith.select %le3A, %scan3A_92, %scan3A_84 : vector<16xi1>, vector<16xi32>
      scf.yield %select_n3A_94, %shift_right_logical3A, %select_n3A_95 : vector<16xi32>, vector<16xi32>, vector<16xi32>
    }
    %scan3A_33 = arith.constant 32 : i32
    %xor3A = arith.constant -2147483648 : i32
    %xor3A_34 = vector.broadcast %xor3A : i32 to vector<16xi32>
    %xor3A_35 = arith.xori %scan3A_32#0, %xor3A_34 : vector<16xi32>
    %sub3A_36 = arith.subi %get3A_1, %scan3A_32#2 : vector<16xi32>
    %scan3A_37 = arith.constant 0 : i32
    %scan3A_38 = arith.constant 64 : i32
    %scan3A_39 = arith.addi %scan3A_37, %scan3A_38 : i32
    %scan3A_40 = arith.constant 1 : i32
    %scan3A_41 = scf.for %scan3A_81 = %scan3A_37 to %scan3A_39 step %scan3A_40 iter_args(%scan3A_82 = %broadcast_in_dim3A_4) -> (vector<16xi32>)  : i32 {
      %mul3A_83 = arith.constant 128 : i32
      %mul3A_84 = arith.muli %scan3A_81, %mul3A_83 : i32
      %add3A_85 = arith.constant 0 : i32
      %add3A_86 = arith.addi %mul3A_84, %add3A_85 : i32
      %get3A_87 = arith.index_cast %add3A_86 : i32 to index
      %get3A_88 = tpu.vector_load %arg6[%get3A_87] {strides = array<i32>} : memref<8192xi32, #tpu.memory_space<vmem>>, vector<16xi32>,
      %lt3A = arith.cmpi slt, %get3A_88, %xor3A_35 : vector<16xi32>
      %eq3A_89 = arith.cmpi eq, %get3A_88, %xor3A_35 : vector<16xi32>
      %jit3A_90 = arith.constant 1 : i32
      %jit3A_91 = arith.constant 0 : i32
      %broadcast_in_dim3A_92 = vector.broadcast %jit3A_90 : i32 to vector<16xi32>
      %broadcast_in_dim3A_93 = vector.broadcast %jit3A_91 : i32 to vector<16xi32>
      %select_n3A_94 = arith.select %eq3A_89, %broadcast_in_dim3A_92, %broadcast_in_dim3A_93 : vector<16xi1>, vector<16xi32>
      %broadcast_in_dim3A_95 = arith.constant true
      %broadcast_in_dim3A_96 = vector.broadcast %broadcast_in_dim3A_95 : i1 to vector<16xi1>
      %masked_cumsum3A_97 = tpu.scan <sum>, %select_n3A_94 masked %broadcast_in_dim3A_96 : vector<16xi32>, vector<16xi1> -> vector<16xi32>
      %mul3A_98 = arith.muli %select_n3A_94, %sub3A_10 : vector<16xi32>
      %sub3A_99 = arith.subi %masked_cumsum3A_97, %mul3A_98 : vector<16xi32>
      %add3A_100 = arith.addi %sub3A_99, %scan3A_82 : vector<16xi32>
      %lt3A_101 = arith.cmpi slt, %add3A_100, %sub3A_36 : vector<16xi32>
      %and3A = arith.andi %eq3A_89, %lt3A_101 : vector<16xi1>
      %or3A = arith.ori %lt3A, %and3A : vector<16xi1>
      %jit3A_102 = arith.constant 1 : i32
      %jit3A_103 = arith.constant 0 : i32
      %broadcast_in_dim3A_104 = vector.broadcast %jit3A_102 : i32 to vector<16xi32>
      %broadcast_in_dim3A_105 = vector.broadcast %jit3A_103 : i32 to vector<16xi32>
      %select_n3A_106 = arith.select %or3A, %broadcast_in_dim3A_104, %broadcast_in_dim3A_105 : vector<16xi1>, vector<16xi32>
      %swap3A_107 = arith.index_cast %add3A_86 : i32 to index
      %swap3A_108 = tpu.vector_load %arg7[%swap3A_107] {strides = array<i32>} : memref<8192xi32, #tpu.memory_space<vmem>>, vector<16xi32>,
      tpu.vector_store %arg7[%swap3A_107], %select_n3A_106 {strides = array<i32>} : memref<8192xi32, #tpu.memory_space<vmem>>, vector<16xi32>,
      %all_reduce_population_count3A = tpu.all_reduce %eq3A_89 {dim = 0 : i64, kind = #tpu.reduction_kind<sum>} : vector<16xi1> -> vector<16xi32>
      %add3A_109 = arith.addi %scan3A_82, %all_reduce_population_count3A : vector<16xi32>
      %mul3A_110 = arith.constant 128 : i32
      %mul3A_111 = arith.muli %scan3A_81, %mul3A_110 : i32
      %add3A_112 = arith.constant 16 : i32
      %add3A_113 = arith.addi %mul3A_111, %add3A_112 : i32
      %get3A_114 = arith.index_cast %add3A_113 : i32 to index
      %get3A_115 = tpu.vector_load %arg6[%get3A_114] {strides = array<i32>} : memref<8192xi32, #tpu.memory_space<vmem>>, vector<16xi32>,
      %lt3A_116 = arith.cmpi slt, %get3A_115, %xor3A_35 : vector<16xi32>
      %eq3A_117 = arith.cmpi eq, %get3A_115, %xor3A_35 : vector<16xi32>
      %jit3A_118 = arith.constant 1 : i32
      %jit3A_119 = arith.constant 0 : i32
      %broadcast_in_dim3A_120 = vector.broadcast %jit3A_118 : i32 to vector<16xi32>
      %broadcast_in_dim3A_121 = vector.broadcast %jit3A_119 : i32 to vector<16xi32>
      %select_n3A_122 = arith.select %eq3A_117, %broadcast_in_dim3A_120, %broadcast_in_dim3A_121 : vector<16xi1>, vector<16xi32>
      %broadcast_in_dim3A_123 = arith.constant true
      %broadcast_in_dim3A_124 = vector.broadcast %broadcast_in_dim3A_123 : i1 to vector<16xi1>
      %masked_cumsum3A_125 = tpu.scan <sum>, %select_n3A_122 masked %broadcast_in_dim3A_124 : vector<16xi32>, vector<16xi1> -> vector<16xi32>
      %mul3A_126 = arith.muli %select_n3A_122, %sub3A_10 : vector<16xi32>
      %sub3A_127 = arith.subi %masked_cumsum3A_125, %mul3A_126 : vector<16xi32>
      %add3A_128 = arith.addi %sub3A_127, %add3A_109 : vector<16xi32>
      %lt3A_129 = arith.cmpi slt, %add3A_128, %sub3A_36 : vector<16xi32>
      %and3A_130 = arith.andi %eq3A_117, %lt3A_129 : vector<16xi1>
      %or3A_131 = arith.ori %lt3A_116, %and3A_130 : vector<16xi1>
      %jit3A_132 = arith.constant 1 : i32
      %jit3A_133 = arith.constant 0 : i32
      %broadcast_in_dim3A_134 = vector.broadcast %jit3A_132 : i32 to vector<16xi32>
      %broadcast_in_dim3A_135 = vector.broadcast %jit3A_133 : i32 to vector<16xi32>
      %select_n3A_136 = arith.select %or3A_131, %broadcast_in_dim3A_134, %broadcast_in_dim3A_135 : vector<16xi1>, vector<16xi32>
      %swap3A_137 = arith.index_cast %add3A_113 : i32 to index
      %swap3A_138 = tpu.vector_load %arg7[%swap3A_137] {strides = array<i32>} : memref<8192xi32, #tpu.memory_space<vmem>>, vector<16xi32>,
      tpu.vector_store %arg7[%swap3A_137], %select_n3A_136 {strides = array<i32>} : memref<8192xi32, #tpu.memory_space<vmem>>, vector<16xi32>,
      %all_reduce_population_count3A_139 = tpu.all_reduce %eq3A_117 {dim = 0 : i64, kind = #tpu.reduction_kind<sum>} : vector<16xi1> -> vector<16xi32>
      %add3A_140 = arith.addi %add3A_109, %all_reduce_population_count3A_139 : vector<16xi32>
      %mul3A_141 = arith.constant 128 : i32
      %mul3A_142 = arith.muli %scan3A_81, %mul3A_141 : i32
      %add3A_143 = arith.constant 32 : i32
      %add3A_144 = arith.addi %mul3A_142, %add3A_143 : i32
      %get3A_145 = arith.index_cast %add3A_144 : i32 to index
      %get3A_146 = tpu.vector_load %arg6[%get3A_145] {strides = array<i32>} : memref<8192xi32, #tpu.memory_space<vmem>>, vector<16xi32>,
      %lt3A_147 = arith.cmpi slt, %get3A_146, %xor3A_35 : vector<16xi32>
      %eq3A_148 = arith.cmpi eq, %get3A_146, %xor3A_35 : vector<16xi32>
      %jit3A_149 = arith.constant 1 : i32
      %jit3A_150 = arith.constant 0 : i32
      %broadcast_in_dim3A_151 = vector.broadcast %jit3A_149 : i32 to vector<16xi32>
      %broadcast_in_dim3A_152 = vector.broadcast %jit3A_150 : i32 to vector<16xi32>
      %select_n3A_153 = arith.select %eq3A_148, %broadcast_in_dim3A_151, %broadcast_in_dim3A_152 : vector<16xi1>, vector<16xi32>
      %broadcast_in_dim3A_154 = arith.constant true
      %broadcast_in_dim3A_155 = vector.broadcast %broadcast_in_dim3A_154 : i1 to vector<16xi1>
      %masked_cumsum3A_156 = tpu.scan <sum>, %select_n3A_153 masked %broadcast_in_dim3A_155 : vector<16xi32>, vector<16xi1> -> vector<16xi32>
      %mul3A_157 = arith.muli %select_n3A_153, %sub3A_10 : vector<16xi32>
      %sub3A_158 = arith.subi %masked_cumsum3A_156, %mul3A_157 : vector<16xi32>
      %add3A_159 = arith.addi %sub3A_158, %add3A_140 : vector<16xi32>
      %lt3A_160 = arith.cmpi slt, %add3A_159, %sub3A_36 : vector<16xi32>
      %and3A_161 = arith.andi %eq3A_148, %lt3A_160 : vector<16xi1>
      %or3A_162 = arith.ori %lt3A_147, %and3A_161 : vector<16xi1>
      %jit3A_163 = arith.constant 1 : i32
      %jit3A_164 = arith.constant 0 : i32
      %broadcast_in_dim3A_165 = vector.broadcast %jit3A_163 : i32 to vector<16xi32>
      %broadcast_in_dim3A_166 = vector.broadcast %jit3A_164 : i32 to vector<16xi32>
      %select_n3A_167 = arith.select %or3A_162, %broadcast_in_dim3A_165, %broadcast_in_dim3A_166 : vector<16xi1>, vector<16xi32>
      %swap3A_168 = arith.index_cast %add3A_144 : i32 to index
      %swap3A_169 = tpu.vector_load %arg7[%swap3A_168] {strides = array<i32>} : memref<8192xi32, #tpu.memory_space<vmem>>, vector<16xi32>,
      tpu.vector_store %arg7[%swap3A_168], %select_n3A_167 {strides = array<i32>} : memref<8192xi32, #tpu.memory_space<vmem>>, vector<16xi32>,
      %all_reduce_population_count3A_170 = tpu.all_reduce %eq3A_148 {dim = 0 : i64, kind = #tpu.reduction_kind<sum>} : vector<16xi1> -> vector<16xi32>
      %add3A_171 = arith.addi %add3A_140, %all_reduce_population_count3A_170 : vector<16xi32>
      %mul3A_172 = arith.constant 128 : i32
      %mul3A_173 = arith.muli %scan3A_81, %mul3A_172 : i32
      %add3A_174 = arith.constant 48 : i32
      %add3A_175 = arith.addi %mul3A_173, %add3A_174 : i32
      %get3A_176 = arith.index_cast %add3A_175 : i32 to index
      %get3A_177 = tpu.vector_load %arg6[%get3A_176] {strides = array<i32>} : memref<8192xi32, #tpu.memory_space<vmem>>, vector<16xi32>,
      %lt3A_178 = arith.cmpi slt, %get3A_177, %xor3A_35 : vector<16xi32>
      %eq3A_179 = arith.cmpi eq, %get3A_177, %xor3A_35 : vector<16xi32>
      %jit3A_180 = arith.constant 1 : i32
      %jit3A_181 = arith.constant 0 : i32
      %broadcast_in_dim3A_182 = vector.broadcast %jit3A_180 : i32 to vector<16xi32>
      %broadcast_in_dim3A_183 = vector.broadcast %jit3A_181 : i32 to vector<16xi32>
      %select_n3A_184 = arith.select %eq3A_179, %broadcast_in_dim3A_182, %broadcast_in_dim3A_183 : vector<16xi1>, vector<16xi32>
      %broadcast_in_dim3A_185 = arith.constant true
      %broadcast_in_dim3A_186 = vector.broadcast %broadcast_in_dim3A_185 : i1 to vector<16xi1>
      %masked_cumsum3A_187 = tpu.scan <sum>, %select_n3A_184 masked %broadcast_in_dim3A_186 : vector<16xi32>, vector<16xi1> -> vector<16xi32>
      %mul3A_188 = arith.muli %select_n3A_184, %sub3A_10 : vector<16xi32>
      %sub3A_189 = arith.subi %masked_cumsum3A_187, %mul3A_188 : vector<16xi32>
      %add3A_190 = arith.addi %sub3A_189, %add3A_171 : vector<16xi32>
      %lt3A_191 = arith.cmpi slt, %add3A_190, %sub3A_36 : vector<16xi32>
      %and3A_192 = arith.andi %eq3A_179, %lt3A_191 : vector<16xi1>
      %or3A_193 = arith.ori %lt3A_178, %and3A_192 : vector<16xi1>
      %jit3A_194 = arith.constant 1 : i32
      %jit3A_195 = arith.constant 0 : i32
      %broadcast_in_dim3A_196 = vector.broadcast %jit3A_194 : i32 to vector<16xi32>
      %broadcast_in_dim3A_197 = vector.broadcast %jit3A_195 : i32 to vector<16xi32>
      %select_n3A_198 = arith.select %or3A_193, %broadcast_in_dim3A_196, %broadcast_in_dim3A_197 : vector<16xi1>, vector<16xi32>
      %swap3A_199 = arith.index_cast %add3A_175 : i32 to index
      %swap3A_200 = tpu.vector_load %arg7[%swap3A_199] {strides = array<i32>} : memref<8192xi32, #tpu.memory_space<vmem>>, vector<16xi32>,
      tpu.vector_store %arg7[%swap3A_199], %select_n3A_198 {strides = array<i32>} : memref<8192xi32, #tpu.memory_space<vmem>>, vector<16xi32>,
      %all_reduce_population_count3A_201 = tpu.all_reduce %eq3A_179 {dim = 0 : i64, kind = #tpu.reduction_kind<sum>} : vector<16xi1> -> vector<16xi32>
      %add3A_202 = arith.addi %add3A_171, %all_reduce_population_count3A_201 : vector<16xi32>
      %mul3A_203 = arith.constant 128 : i32
      %mul3A_204 = arith.muli %scan3A_81, %mul3A_203 : i32
      %add3A_205 = arith.constant 64 : i32
      %add3A_206 = arith.addi %mul3A_204, %add3A_205 : i32
      %get3A_207 = arith.index_cast %add3A_206 : i32 to index
      %get3A_208 = tpu.vector_load %arg6[%get3A_207] {strides = array<i32>} : memref<8192xi32, #tpu.memory_space<vmem>>, vector<16xi32>,
      %lt3A_209 = arith.cmpi slt, %get3A_208, %xor3A_35 : vector<16xi32>
      %eq3A_210 = arith.cmpi eq, %get3A_208, %xor3A_35 : vector<16xi32>
      %jit3A_211 = arith.constant 1 : i32
      %jit3A_212 = arith.constant 0 : i32
      %broadcast_in_dim3A_213 = vector.broadcast %jit3A_211 : i32 to vector<16xi32>
      %broadcast_in_dim3A_214 = vector.broadcast %jit3A_212 : i32 to vector<16xi32>
      %select_n3A_215 = arith.select %eq3A_210, %broadcast_in_dim3A_213, %broadcast_in_dim3A_214 : vector<16xi1>, vector<16xi32>
      %broadcast_in_dim3A_216 = arith.constant true
      %broadcast_in_dim3A_217 = vector.broadcast %broadcast_in_dim3A_216 : i1 to vector<16xi1>
      %masked_cumsum3A_218 = tpu.scan <sum>, %select_n3A_215 masked %broadcast_in_dim3A_217 : vector<16xi32>, vector<16xi1> -> vector<16xi32>
      %mul3A_219 = arith.muli %select_n3A_215, %sub3A_10 : vector<16xi32>
      %sub3A_220 = arith.subi %masked_cumsum3A_218, %mul3A_219 : vector<16xi32>
      %add3A_221 = arith.addi %sub3A_220, %add3A_202 : vector<16xi32>
      %lt3A_222 = arith.cmpi slt, %add3A_221, %sub3A_36 : vector<16xi32>
      %and3A_223 = arith.andi %eq3A_210, %lt3A_222 : vector<16xi1>
      %or3A_224 = arith.ori %lt3A_209, %and3A_223 : vector<16xi1>
      %jit3A_225 = arith.constant 1 : i32
      %jit3A_226 = arith.constant 0 : i32
      %broadcast_in_dim3A_227 = vector.broadcast %jit3A_225 : i32 to vector<16xi32>
      %broadcast_in_dim3A_228 = vector.broadcast %jit3A_226 : i32 to vector<16xi32>
      %select_n3A_229 = arith.select %or3A_224, %broadcast_in_dim3A_227, %broadcast_in_dim3A_228 : vector<16xi1>, vector<16xi32>
      %swap3A_230 = arith.index_cast %add3A_206 : i32 to index
      %swap3A_231 = tpu.vector_load %arg7[%swap3A_230] {strides = array<i32>} : memref<8192xi32, #tpu.memory_space<vmem>>, vector<16xi32>,
      tpu.vector_store %arg7[%swap3A_230], %select_n3A_229 {strides = array<i32>} : memref<8192xi32, #tpu.memory_space<vmem>>, vector<16xi32>,
      %all_reduce_population_count3A_232 = tpu.all_reduce %eq3A_210 {dim = 0 : i64, kind = #tpu.reduction_kind<sum>} : vector<16xi1> -> vector<16xi32>
      %add3A_233 = arith.addi %add3A_202, %all_reduce_population_count3A_232 : vector<16xi32>
      %mul3A_234 = arith.constant 128 : i32
      %mul3A_235 = arith.muli %scan3A_81, %mul3A_234 : i32
      %add3A_236 = arith.constant 80 : i32
      %add3A_237 = arith.addi %mul3A_235, %add3A_236 : i32
      %get3A_238 = arith.index_cast %add3A_237 : i32 to index
      %get3A_239 = tpu.vector_load %arg6[%get3A_238] {strides = array<i32>} : memref<8192xi32, #tpu.memory_space<vmem>>, vector<16xi32>,
      %lt3A_240 = arith.cmpi slt, %get3A_239, %xor3A_35 : vector<16xi32>
      %eq3A_241 = arith.cmpi eq, %get3A_239, %xor3A_35 : vector<16xi32>
      %jit3A_242 = arith.constant 1 : i32
      %jit3A_243 = arith.constant 0 : i32
      %broadcast_in_dim3A_244 = vector.broadcast %jit3A_242 : i32 to vector<16xi32>
      %broadcast_in_dim3A_245 = vector.broadcast %jit3A_243 : i32 to vector<16xi32>
      %select_n3A_246 = arith.select %eq3A_241, %broadcast_in_dim3A_244, %broadcast_in_dim3A_245 : vector<16xi1>, vector<16xi32>
      %broadcast_in_dim3A_247 = arith.constant true
      %broadcast_in_dim3A_248 = vector.broadcast %broadcast_in_dim3A_247 : i1 to vector<16xi1>
      %masked_cumsum3A_249 = tpu.scan <sum>, %select_n3A_246 masked %broadcast_in_dim3A_248 : vector<16xi32>, vector<16xi1> -> vector<16xi32>
      %mul3A_250 = arith.muli %select_n3A_246, %sub3A_10 : vector<16xi32>
      %sub3A_251 = arith.subi %masked_cumsum3A_249, %mul3A_250 : vector<16xi32>
      %add3A_252 = arith.addi %sub3A_251, %add3A_233 : vector<16xi32>
      %lt3A_253 = arith.cmpi slt, %add3A_252, %sub3A_36 : vector<16xi32>
      %and3A_254 = arith.andi %eq3A_241, %lt3A_253 : vector<16xi1>
      %or3A_255 = arith.ori %lt3A_240, %and3A_254 : vector<16xi1>
      %jit3A_256 = arith.constant 1 : i32
      %jit3A_257 = arith.constant 0 : i32
      %broadcast_in_dim3A_258 = vector.broadcast %jit3A_256 : i32 to vector<16xi32>
      %broadcast_in_dim3A_259 = vector.broadcast %jit3A_257 : i32 to vector<16xi32>
      %select_n3A_260 = arith.select %or3A_255, %broadcast_in_dim3A_258, %broadcast_in_dim3A_259 : vector<16xi1>, vector<16xi32>
      %swap3A_261 = arith.index_cast %add3A_237 : i32 to index
      %swap3A_262 = tpu.vector_load %arg7[%swap3A_261] {strides = array<i32>} : memref<8192xi32, #tpu.memory_space<vmem>>, vector<16xi32>,
      tpu.vector_store %arg7[%swap3A_261], %select_n3A_260 {strides = array<i32>} : memref<8192xi32, #tpu.memory_space<vmem>>, vector<16xi32>,
      %all_reduce_population_count3A_263 = tpu.all_reduce %eq3A_241 {dim = 0 : i64, kind = #tpu.reduction_kind<sum>} : vector<16xi1> -> vector<16xi32>
      %add3A_264 = arith.addi %add3A_233, %all_reduce_population_count3A_263 : vector<16xi32>
      %mul3A_265 = arith.constant 128 : i32
      %mul3A_266 = arith.muli %scan3A_81, %mul3A_265 : i32
      %add3A_267 = arith.constant 96 : i32
      %add3A_268 = arith.addi %mul3A_266, %add3A_267 : i32
      %get3A_269 = arith.index_cast %add3A_268 : i32 to index
      %get3A_270 = tpu.vector_load %arg6[%get3A_269] {strides = array<i32>} : memref<8192xi32, #tpu.memory_space<vmem>>, vector<16xi32>,
      %lt3A_271 = arith.cmpi slt, %get3A_270, %xor3A_35 : vector<16xi32>
      %eq3A_272 = arith.cmpi eq, %get3A_270, %xor3A_35 : vector<16xi32>
      %jit3A_273 = arith.constant 1 : i32
      %jit3A_274 = arith.constant 0 : i32
      %broadcast_in_dim3A_275 = vector.broadcast %jit3A_273 : i32 to vector<16xi32>
      %broadcast_in_dim3A_276 = vector.broadcast %jit3A_274 : i32 to vector<16xi32>
      %select_n3A_277 = arith.select %eq3A_272, %broadcast_in_dim3A_275, %broadcast_in_dim3A_276 : vector<16xi1>, vector<16xi32>
      %broadcast_in_dim3A_278 = arith.constant true
      %broadcast_in_dim3A_279 = vector.broadcast %broadcast_in_dim3A_278 : i1 to vector<16xi1>
      %masked_cumsum3A_280 = tpu.scan <sum>, %select_n3A_277 masked %broadcast_in_dim3A_279 : vector<16xi32>, vector<16xi1> -> vector<16xi32>
      %mul3A_281 = arith.muli %select_n3A_277, %sub3A_10 : vector<16xi32>
      %sub3A_282 = arith.subi %masked_cumsum3A_280, %mul3A_281 : vector<16xi32>
      %add3A_283 = arith.addi %sub3A_282, %add3A_264 : vector<16xi32>
      %lt3A_284 = arith.cmpi slt, %add3A_283, %sub3A_36 : vector<16xi32>
      %and3A_285 = arith.andi %eq3A_272, %lt3A_284 : vector<16xi1>
      %or3A_286 = arith.ori %lt3A_271, %and3A_285 : vector<16xi1>
      %jit3A_287 = arith.constant 1 : i32
      %jit3A_288 = arith.constant 0 : i32
      %broadcast_in_dim3A_289 = vector.broadcast %jit3A_287 : i32 to vector<16xi32>
      %broadcast_in_dim3A_290 = vector.broadcast %jit3A_288 : i32 to vector<16xi32>
      %select_n3A_291 = arith.select %or3A_286, %broadcast_in_dim3A_289, %broadcast_in_dim3A_290 : vector<16xi1>, vector<16xi32>
      %swap3A_292 = arith.index_cast %add3A_268 : i32 to index
      %swap3A_293 = tpu.vector_load %arg7[%swap3A_292] {strides = array<i32>} : memref<8192xi32, #tpu.memory_space<vmem>>, vector<16xi32>,
      tpu.vector_store %arg7[%swap3A_292], %select_n3A_291 {strides = array<i32>} : memref<8192xi32, #tpu.memory_space<vmem>>, vector<16xi32>,
      %all_reduce_population_count3A_294 = tpu.all_reduce %eq3A_272 {dim = 0 : i64, kind = #tpu.reduction_kind<sum>} : vector<16xi1> -> vector<16xi32>
      %add3A_295 = arith.addi %add3A_264, %all_reduce_population_count3A_294 : vector<16xi32>
      %mul3A_296 = arith.constant 128 : i32
      %mul3A_297 = arith.muli %scan3A_81, %mul3A_296 : i32
      %add3A_298 = arith.constant 112 : i32
      %add3A_299 = arith.addi %mul3A_297, %add3A_298 : i32
      %get3A_300 = arith.index_cast %add3A_299 : i32 to index
      %get3A_301 = tpu.vector_load %arg6[%get3A_300] {strides = array<i32>} : memref<8192xi32, #tpu.memory_space<vmem>>, vector<16xi32>,
      %lt3A_302 = arith.cmpi slt, %get3A_301, %xor3A_35 : vector<16xi32>
      %eq3A_303 = arith.cmpi eq, %get3A_301, %xor3A_35 : vector<16xi32>
      %jit3A_304 = arith.constant 1 : i32
      %jit3A_305 = arith.constant 0 : i32
      %broadcast_in_dim3A_306 = vector.broadcast %jit3A_304 : i32 to vector<16xi32>
      %broadcast_in_dim3A_307 = vector.broadcast %jit3A_305 : i32 to vector<16xi32>
      %select_n3A_308 = arith.select %eq3A_303, %broadcast_in_dim3A_306, %broadcast_in_dim3A_307 : vector<16xi1>, vector<16xi32>
      %broadcast_in_dim3A_309 = arith.constant true
      %broadcast_in_dim3A_310 = vector.broadcast %broadcast_in_dim3A_309 : i1 to vector<16xi1>
      %masked_cumsum3A_311 = tpu.scan <sum>, %select_n3A_308 masked %broadcast_in_dim3A_310 : vector<16xi32>, vector<16xi1> -> vector<16xi32>
      %mul3A_312 = arith.muli %select_n3A_308, %sub3A_10 : vector<16xi32>
      %sub3A_313 = arith.subi %masked_cumsum3A_311, %mul3A_312 : vector<16xi32>
      %add3A_314 = arith.addi %sub3A_313, %add3A_295 : vector<16xi32>
      %lt3A_315 = arith.cmpi slt, %add3A_314, %sub3A_36 : vector<16xi32>
      %and3A_316 = arith.andi %eq3A_303, %lt3A_315 : vector<16xi1>
      %or3A_317 = arith.ori %lt3A_302, %and3A_316 : vector<16xi1>
      %jit3A_318 = arith.constant 1 : i32
      %jit3A_319 = arith.constant 0 : i32
      %broadcast_in_dim3A_320 = vector.broadcast %jit3A_318 : i32 to vector<16xi32>
      %broadcast_in_dim3A_321 = vector.broadcast %jit3A_319 : i32 to vector<16xi32>
      %select_n3A_322 = arith.select %or3A_317, %broadcast_in_dim3A_320, %broadcast_in_dim3A_321 : vector<16xi1>, vector<16xi32>
      %swap3A_323 = arith.index_cast %add3A_299 : i32 to index
      %swap3A_324 = tpu.vector_load %arg7[%swap3A_323] {strides = array<i32>} : memref<8192xi32, #tpu.memory_space<vmem>>, vector<16xi32>,
      tpu.vector_store %arg7[%swap3A_323], %select_n3A_322 {strides = array<i32>} : memref<8192xi32, #tpu.memory_space<vmem>>, vector<16xi32>,
      %all_reduce_population_count3A_325 = tpu.all_reduce %eq3A_303 {dim = 0 : i64, kind = #tpu.reduction_kind<sum>} : vector<16xi1> -> vector<16xi32>
      %add3A_326 = arith.addi %add3A_295, %all_reduce_population_count3A_325 : vector<16xi32>
      scf.yield %add3A_326 : vector<16xi32>
    }
    %scan3A_42 = arith.constant 64 : i32
    "tpu.region"() ({
      %run_scoped3A = tpu.sem_alloc : memref<!tpu.dma_semaphore, #tpu.memory_space<semaphore_mem>>
      %dma_start3A = arith.constant 0 : i32
      %dma_start3A_81 = tpu.memref_slice %arg4[%add3A_14, %dma_start3A] : memref<64x8192xi32, #tpu.memory_space<hbm>> -> memref<1x8192xi32, #tpu.memory_space<hbm>>
      %dma_start3A_82 = tpu.memref_squeeze %dma_start3A_81 : memref<1x8192xi32, #tpu.memory_space<hbm>> -> memref<8192xi32, #tpu.memory_space<hbm>>
      %dma_start3A_83 = arith.constant 0 : i32
      %dma_start3A_84 = tpu.memref_slice %arg4[%add3A_14, %dma_start3A_83] : memref<64x8192xi32, #tpu.memory_space<hbm>> -> memref<1x8192xi32, #tpu.memory_space<hbm>>
      %dma_start3A_85 = tpu.memref_squeeze %dma_start3A_84 : memref<1x8192xi32, #tpu.memory_space<hbm>> -> memref<8192xi32, #tpu.memory_space<hbm>>
      tpu.enqueue_dma source(%arg7 : memref<8192xi32, #tpu.memory_space<vmem>>) target(%dma_start3A_85 : memref<8192xi32, #tpu.memory_space<hbm>>) target_semaphore(%run_scoped3A : memref<!tpu.dma_semaphore, #tpu.memory_space<semaphore_mem>>)
      %dma_wait3A = arith.constant 0 : i32
      %dma_wait3A_86 = tpu.memref_slice %arg4[%add3A_14, %dma_wait3A] : memref<64x8192xi32, #tpu.memory_space<hbm>> -> memref<1x8192xi32, #tpu.memory_space<hbm>>
      %dma_wait3A_87 = tpu.memref_squeeze %dma_wait3A_86 : memref<1x8192xi32, #tpu.memory_space<hbm>> -> memref<8192xi32, #tpu.memory_space<hbm>>
      %dma_wait3A_88 = arith.constant 0 : i32
      %dma_wait3A_89 = tpu.memref_slice %arg4[%add3A_14, %dma_wait3A_88] : memref<64x8192xi32, #tpu.memory_space<hbm>> -> memref<1x8192xi32, #tpu.memory_space<hbm>>
      %dma_wait3A_90 = tpu.memref_squeeze %dma_wait3A_89 : memref<1x8192xi32, #tpu.memory_space<hbm>> -> memref<8192xi32, #tpu.memory_space<hbm>>
      tpu.wait_dma2 semaphore(%run_scoped3A : memref<!tpu.dma_semaphore, #tpu.memory_space<semaphore_mem>>) src(%arg7 : memref<8192xi32, #tpu.memory_space<vmem>>) dst(%dma_wait3A_90 : memref<8192xi32, #tpu.memory_space<hbm>>)
      tpu.yield
    }) : () -> ()
    %mul3A_43 = arith.constant 2 : i32
    %mul3A_44 = arith.muli %add3A, %mul3A_43 : i32
    %add3A_45 = arith.constant 1 : i32
    %add3A_46 = arith.addi %mul3A_44, %add3A_45 : i32
    "tpu.region"() ({
      %run_scoped3A = tpu.sem_alloc : memref<!tpu.dma_semaphore, #tpu.memory_space<semaphore_mem>>
      %dma_start3A = arith.constant 0 : i32
      %dma_start3A_81 = tpu.memref_slice %arg2[%add3A_46, %dma_start3A] : memref<64x8192xf32, #tpu.memory_space<hbm>> -> memref<1x8192xf32, #tpu.memory_space<hbm>>
      %dma_start3A_82 = tpu.memref_squeeze %dma_start3A_81 : memref<1x8192xf32, #tpu.memory_space<hbm>> -> memref<8192xf32, #tpu.memory_space<hbm>>
      %dma_start3A_83 = arith.constant 0 : i32
      %dma_start3A_84 = tpu.memref_slice %arg2[%add3A_46, %dma_start3A_83] : memref<64x8192xf32, #tpu.memory_space<hbm>> -> memref<1x8192xf32, #tpu.memory_space<hbm>>
      %dma_start3A_85 = tpu.memref_squeeze %dma_start3A_84 : memref<1x8192xf32, #tpu.memory_space<hbm>> -> memref<8192xf32, #tpu.memory_space<hbm>>
      tpu.enqueue_dma source(%dma_start3A_85 : memref<8192xf32, #tpu.memory_space<hbm>>) target(%arg5 : memref<8192xf32, #tpu.memory_space<vmem>>) target_semaphore(%run_scoped3A : memref<!tpu.dma_semaphore, #tpu.memory_space<semaphore_mem>>)
      %dma_wait3A = arith.constant 0 : i32
      %dma_wait3A_86 = tpu.memref_slice %arg2[%add3A_46, %dma_wait3A] : memref<64x8192xf32, #tpu.memory_space<hbm>> -> memref<1x8192xf32, #tpu.memory_space<hbm>>
      %dma_wait3A_87 = tpu.memref_squeeze %dma_wait3A_86 : memref<1x8192xf32, #tpu.memory_space<hbm>> -> memref<8192xf32, #tpu.memory_space<hbm>>
      %dma_wait3A_88 = arith.constant 0 : i32
      %dma_wait3A_89 = tpu.memref_slice %arg2[%add3A_46, %dma_wait3A_88] : memref<64x8192xf32, #tpu.memory_space<hbm>> -> memref<1x8192xf32, #tpu.memory_space<hbm>>
      %dma_wait3A_90 = tpu.memref_squeeze %dma_wait3A_89 : memref<1x8192xf32, #tpu.memory_space<hbm>> -> memref<8192xf32, #tpu.memory_space<hbm>>
      tpu.wait_dma2 semaphore(%run_scoped3A : memref<!tpu.dma_semaphore, #tpu.memory_space<semaphore_mem>>) src(%dma_wait3A_90 : memref<8192xf32, #tpu.memory_space<hbm>>) dst(%arg5 : memref<8192xf32, #tpu.memory_space<vmem>>)
      tpu.yield
    }) : () -> ()
    %scan3A_47 = arith.constant 0 : i32
    %scan3A_48 = arith.constant 64 : i32
    %scan3A_49 = arith.addi %scan3A_47, %scan3A_48 : i32
    %scan3A_50 = arith.constant 1 : i32
    scf.for %scan3A_81 = %scan3A_47 to %scan3A_49 step %scan3A_50  : i32 {
      %mul3A_82 = arith.constant 128 : i32
      %mul3A_83 = arith.muli %scan3A_81, %mul3A_82 : i32
      %add3A_84 = arith.constant 0 : i32
      %add3A_85 = arith.addi %mul3A_83, %add3A_84 : i32
      %get3A_86 = arith.index_cast %add3A_85 : i32 to index
      %get3A_87 = tpu.vector_load %arg5[%get3A_86] {strides = array<i32>} : memref<8192xf32, #tpu.memory_space<vmem>>, vector<16xf32>,
      %bitcast_convert_type3A = tpu.bitcast %get3A_87 : vector<16xf32> -> vector<16xi32>
      %xor3A_88 = arith.constant -2147483648 : i32
      %xor3A_89 = vector.broadcast %xor3A_88 : i32 to vector<16xi32>
      %xor3A_90 = arith.xori %bitcast_convert_type3A, %xor3A_89 : vector<16xi32>
      %lt3A = arith.constant 0 : i32
      %lt3A_91 = vector.broadcast %lt3A : i32 to vector<16xi32>
      %lt3A_92 = arith.cmpi slt, %xor3A_90, %lt3A_91 : vector<16xi32>
      %xor3A_93 = arith.constant 2147483647 : i32
      %xor3A_94 = vector.broadcast %xor3A_93 : i32 to vector<16xi32>
      %xor3A_95 = arith.xori %xor3A_90, %xor3A_94 : vector<16xi32>
      %select_n3A_96 = arith.select %lt3A_92, %xor3A_95, %xor3A_90 : vector<16xi1>, vector<16xi32>
      %swap3A_97 = arith.index_cast %add3A_85 : i32 to index
      %swap3A_98 = tpu.vector_load %arg6[%swap3A_97] {strides = array<i32>} : memref<8192xi32, #tpu.memory_space<vmem>>, vector<16xi32>,
      tpu.vector_store %arg6[%swap3A_97], %select_n3A_96 {strides = array<i32>} : memref<8192xi32, #tpu.memory_space<vmem>>, vector<16xi32>,
      %mul3A_99 = arith.constant 128 : i32
      %mul3A_100 = arith.muli %scan3A_81, %mul3A_99 : i32
      %add3A_101 = arith.constant 16 : i32
      %add3A_102 = arith.addi %mul3A_100, %add3A_101 : i32
      %get3A_103 = arith.index_cast %add3A_102 : i32 to index
      %get3A_104 = tpu.vector_load %arg5[%get3A_103] {strides = array<i32>} : memref<8192xf32, #tpu.memory_space<vmem>>, vector<16xf32>,
      %bitcast_convert_type3A_105 = tpu.bitcast %get3A_104 : vector<16xf32> -> vector<16xi32>
      %xor3A_106 = arith.constant -2147483648 : i32
      %xor3A_107 = vector.broadcast %xor3A_106 : i32 to vector<16xi32>
      %xor3A_108 = arith.xori %bitcast_convert_type3A_105, %xor3A_107 : vector<16xi32>
      %lt3A_109 = arith.constant 0 : i32
      %lt3A_110 = vector.broadcast %lt3A_109 : i32 to vector<16xi32>
      %lt3A_111 = arith.cmpi slt, %xor3A_108, %lt3A_110 : vector<16xi32>
      %xor3A_112 = arith.constant 2147483647 : i32
      %xor3A_113 = vector.broadcast %xor3A_112 : i32 to vector<16xi32>
      %xor3A_114 = arith.xori %xor3A_108, %xor3A_113 : vector<16xi32>
      %select_n3A_115 = arith.select %lt3A_111, %xor3A_114, %xor3A_108 : vector<16xi1>, vector<16xi32>
      %swap3A_116 = arith.index_cast %add3A_102 : i32 to index
      %swap3A_117 = tpu.vector_load %arg6[%swap3A_116] {strides = array<i32>} : memref<8192xi32, #tpu.memory_space<vmem>>, vector<16xi32>,
      tpu.vector_store %arg6[%swap3A_116], %select_n3A_115 {strides = array<i32>} : memref<8192xi32, #tpu.memory_space<vmem>>, vector<16xi32>,
      %mul3A_118 = arith.constant 128 : i32
      %mul3A_119 = arith.muli %scan3A_81, %mul3A_118 : i32
      %add3A_120 = arith.constant 32 : i32
      %add3A_121 = arith.addi %mul3A_119, %add3A_120 : i32
      %get3A_122 = arith.index_cast %add3A_121 : i32 to index
      %get3A_123 = tpu.vector_load %arg5[%get3A_122] {strides = array<i32>} : memref<8192xf32, #tpu.memory_space<vmem>>, vector<16xf32>,
      %bitcast_convert_type3A_124 = tpu.bitcast %get3A_123 : vector<16xf32> -> vector<16xi32>
      %xor3A_125 = arith.constant -2147483648 : i32
      %xor3A_126 = vector.broadcast %xor3A_125 : i32 to vector<16xi32>
      %xor3A_127 = arith.xori %bitcast_convert_type3A_124, %xor3A_126 : vector<16xi32>
      %lt3A_128 = arith.constant 0 : i32
      %lt3A_129 = vector.broadcast %lt3A_128 : i32 to vector<16xi32>
      %lt3A_130 = arith.cmpi slt, %xor3A_127, %lt3A_129 : vector<16xi32>
      %xor3A_131 = arith.constant 2147483647 : i32
      %xor3A_132 = vector.broadcast %xor3A_131 : i32 to vector<16xi32>
      %xor3A_133 = arith.xori %xor3A_127, %xor3A_132 : vector<16xi32>
      %select_n3A_134 = arith.select %lt3A_130, %xor3A_133, %xor3A_127 : vector<16xi1>, vector<16xi32>
      %swap3A_135 = arith.index_cast %add3A_121 : i32 to index
      %swap3A_136 = tpu.vector_load %arg6[%swap3A_135] {strides = array<i32>} : memref<8192xi32, #tpu.memory_space<vmem>>, vector<16xi32>,
      tpu.vector_store %arg6[%swap3A_135], %select_n3A_134 {strides = array<i32>} : memref<8192xi32, #tpu.memory_space<vmem>>, vector<16xi32>,
      %mul3A_137 = arith.constant 128 : i32
      %mul3A_138 = arith.muli %scan3A_81, %mul3A_137 : i32
      %add3A_139 = arith.constant 48 : i32
      %add3A_140 = arith.addi %mul3A_138, %add3A_139 : i32
      %get3A_141 = arith.index_cast %add3A_140 : i32 to index
      %get3A_142 = tpu.vector_load %arg5[%get3A_141] {strides = array<i32>} : memref<8192xf32, #tpu.memory_space<vmem>>, vector<16xf32>,
      %bitcast_convert_type3A_143 = tpu.bitcast %get3A_142 : vector<16xf32> -> vector<16xi32>
      %xor3A_144 = arith.constant -2147483648 : i32
      %xor3A_145 = vector.broadcast %xor3A_144 : i32 to vector<16xi32>
      %xor3A_146 = arith.xori %bitcast_convert_type3A_143, %xor3A_145 : vector<16xi32>
      %lt3A_147 = arith.constant 0 : i32
      %lt3A_148 = vector.broadcast %lt3A_147 : i32 to vector<16xi32>
      %lt3A_149 = arith.cmpi slt, %xor3A_146, %lt3A_148 : vector<16xi32>
      %xor3A_150 = arith.constant 2147483647 : i32
      %xor3A_151 = vector.broadcast %xor3A_150 : i32 to vector<16xi32>
      %xor3A_152 = arith.xori %xor3A_146, %xor3A_151 : vector<16xi32>
      %select_n3A_153 = arith.select %lt3A_149, %xor3A_152, %xor3A_146 : vector<16xi1>, vector<16xi32>
      %swap3A_154 = arith.index_cast %add3A_140 : i32 to index
      %swap3A_155 = tpu.vector_load %arg6[%swap3A_154] {strides = array<i32>} : memref<8192xi32, #tpu.memory_space<vmem>>, vector<16xi32>,
      tpu.vector_store %arg6[%swap3A_154], %select_n3A_153 {strides = array<i32>} : memref<8192xi32, #tpu.memory_space<vmem>>, vector<16xi32>,
      %mul3A_156 = arith.constant 128 : i32
      %mul3A_157 = arith.muli %scan3A_81, %mul3A_156 : i32
      %add3A_158 = arith.constant 64 : i32
      %add3A_159 = arith.addi %mul3A_157, %add3A_158 : i32
      %get3A_160 = arith.index_cast %add3A_159 : i32 to index
      %get3A_161 = tpu.vector_load %arg5[%get3A_160] {strides = array<i32>} : memref<8192xf32, #tpu.memory_space<vmem>>, vector<16xf32>,
      %bitcast_convert_type3A_162 = tpu.bitcast %get3A_161 : vector<16xf32> -> vector<16xi32>
      %xor3A_163 = arith.constant -2147483648 : i32
      %xor3A_164 = vector.broadcast %xor3A_163 : i32 to vector<16xi32>
      %xor3A_165 = arith.xori %bitcast_convert_type3A_162, %xor3A_164 : vector<16xi32>
      %lt3A_166 = arith.constant 0 : i32
      %lt3A_167 = vector.broadcast %lt3A_166 : i32 to vector<16xi32>
      %lt3A_168 = arith.cmpi slt, %xor3A_165, %lt3A_167 : vector<16xi32>
      %xor3A_169 = arith.constant 2147483647 : i32
      %xor3A_170 = vector.broadcast %xor3A_169 : i32 to vector<16xi32>
      %xor3A_171 = arith.xori %xor3A_165, %xor3A_170 : vector<16xi32>
      %select_n3A_172 = arith.select %lt3A_168, %xor3A_171, %xor3A_165 : vector<16xi1>, vector<16xi32>
      %swap3A_173 = arith.index_cast %add3A_159 : i32 to index
      %swap3A_174 = tpu.vector_load %arg6[%swap3A_173] {strides = array<i32>} : memref<8192xi32, #tpu.memory_space<vmem>>, vector<16xi32>,
      tpu.vector_store %arg6[%swap3A_173], %select_n3A_172 {strides = array<i32>} : memref<8192xi32, #tpu.memory_space<vmem>>, vector<16xi32>,
      %mul3A_175 = arith.constant 128 : i32
      %mul3A_176 = arith.muli %scan3A_81, %mul3A_175 : i32
      %add3A_177 = arith.constant 80 : i32
      %add3A_178 = arith.addi %mul3A_176, %add3A_177 : i32
      %get3A_179 = arith.index_cast %add3A_178 : i32 to index
      %get3A_180 = tpu.vector_load %arg5[%get3A_179] {strides = array<i32>} : memref<8192xf32, #tpu.memory_space<vmem>>, vector<16xf32>,
      %bitcast_convert_type3A_181 = tpu.bitcast %get3A_180 : vector<16xf32> -> vector<16xi32>
      %xor3A_182 = arith.constant -2147483648 : i32
      %xor3A_183 = vector.broadcast %xor3A_182 : i32 to vector<16xi32>
      %xor3A_184 = arith.xori %bitcast_convert_type3A_181, %xor3A_183 : vector<16xi32>
      %lt3A_185 = arith.constant 0 : i32
      %lt3A_186 = vector.broadcast %lt3A_185 : i32 to vector<16xi32>
      %lt3A_187 = arith.cmpi slt, %xor3A_184, %lt3A_186 : vector<16xi32>
      %xor3A_188 = arith.constant 2147483647 : i32
      %xor3A_189 = vector.broadcast %xor3A_188 : i32 to vector<16xi32>
      %xor3A_190 = arith.xori %xor3A_184, %xor3A_189 : vector<16xi32>
      %select_n3A_191 = arith.select %lt3A_187, %xor3A_190, %xor3A_184 : vector<16xi1>, vector<16xi32>
      %swap3A_192 = arith.index_cast %add3A_178 : i32 to index
      %swap3A_193 = tpu.vector_load %arg6[%swap3A_192] {strides = array<i32>} : memref<8192xi32, #tpu.memory_space<vmem>>, vector<16xi32>,
      tpu.vector_store %arg6[%swap3A_192], %select_n3A_191 {strides = array<i32>} : memref<8192xi32, #tpu.memory_space<vmem>>, vector<16xi32>,
      %mul3A_194 = arith.constant 128 : i32
      %mul3A_195 = arith.muli %scan3A_81, %mul3A_194 : i32
      %add3A_196 = arith.constant 96 : i32
      %add3A_197 = arith.addi %mul3A_195, %add3A_196 : i32
      %get3A_198 = arith.index_cast %add3A_197 : i32 to index
      %get3A_199 = tpu.vector_load %arg5[%get3A_198] {strides = array<i32>} : memref<8192xf32, #tpu.memory_space<vmem>>, vector<16xf32>,
      %bitcast_convert_type3A_200 = tpu.bitcast %get3A_199 : vector<16xf32> -> vector<16xi32>
      %xor3A_201 = arith.constant -2147483648 : i32
      %xor3A_202 = vector.broadcast %xor3A_201 : i32 to vector<16xi32>
      %xor3A_203 = arith.xori %bitcast_convert_type3A_200, %xor3A_202 : vector<16xi32>
      %lt3A_204 = arith.constant 0 : i32
      %lt3A_205 = vector.broadcast %lt3A_204 : i32 to vector<16xi32>
      %lt3A_206 = arith.cmpi slt, %xor3A_203, %lt3A_205 : vector<16xi32>
      %xor3A_207 = arith.constant 2147483647 : i32
      %xor3A_208 = vector.broadcast %xor3A_207 : i32 to vector<16xi32>
      %xor3A_209 = arith.xori %xor3A_203, %xor3A_208 : vector<16xi32>
      %select_n3A_210 = arith.select %lt3A_206, %xor3A_209, %xor3A_203 : vector<16xi1>, vector<16xi32>
      %swap3A_211 = arith.index_cast %add3A_197 : i32 to index
      %swap3A_212 = tpu.vector_load %arg6[%swap3A_211] {strides = array<i32>} : memref<8192xi32, #tpu.memory_space<vmem>>, vector<16xi32>,
      tpu.vector_store %arg6[%swap3A_211], %select_n3A_210 {strides = array<i32>} : memref<8192xi32, #tpu.memory_space<vmem>>, vector<16xi32>,
      %mul3A_213 = arith.constant 128 : i32
      %mul3A_214 = arith.muli %scan3A_81, %mul3A_213 : i32
      %add3A_215 = arith.constant 112 : i32
      %add3A_216 = arith.addi %mul3A_214, %add3A_215 : i32
      %get3A_217 = arith.index_cast %add3A_216 : i32 to index
      %get3A_218 = tpu.vector_load %arg5[%get3A_217] {strides = array<i32>} : memref<8192xf32, #tpu.memory_space<vmem>>, vector<16xf32>,
      %bitcast_convert_type3A_219 = tpu.bitcast %get3A_218 : vector<16xf32> -> vector<16xi32>
      %xor3A_220 = arith.constant -2147483648 : i32
      %xor3A_221 = vector.broadcast %xor3A_220 : i32 to vector<16xi32>
      %xor3A_222 = arith.xori %bitcast_convert_type3A_219, %xor3A_221 : vector<16xi32>
      %lt3A_223 = arith.constant 0 : i32
      %lt3A_224 = vector.broadcast %lt3A_223 : i32 to vector<16xi32>
      %lt3A_225 = arith.cmpi slt, %xor3A_222, %lt3A_224 : vector<16xi32>
      %xor3A_226 = arith.constant 2147483647 : i32
      %xor3A_227 = vector.broadcast %xor3A_226 : i32 to vector<16xi32>
      %xor3A_228 = arith.xori %xor3A_222, %xor3A_227 : vector<16xi32>
      %select_n3A_229 = arith.select %lt3A_225, %xor3A_228, %xor3A_222 : vector<16xi1>, vector<16xi32>
      %swap3A_230 = arith.index_cast %add3A_216 : i32 to index
      %swap3A_231 = tpu.vector_load %arg6[%swap3A_230] {strides = array<i32>} : memref<8192xi32, #tpu.memory_space<vmem>>, vector<16xi32>,
      tpu.vector_store %arg6[%swap3A_230], %select_n3A_229 {strides = array<i32>} : memref<8192xi32, #tpu.memory_space<vmem>>, vector<16xi32>,
    }
    %scan3A_51 = arith.constant 64 : i32
    %get3A_52 = arith.constant 0 : index
    %get3A_53 = tpu.vector_load %arg6[%get3A_52] {strides = array<i32>} : memref<8192xi32, #tpu.memory_space<vmem>>, vector<16xi32>,
    %eq3A_54 = arith.constant 0 : i32
    %eq3A_55 = vector.broadcast %eq3A_54 : i32 to vector<16xi32>
    %eq3A_56 = arith.cmpi eq, %iota3A, %eq3A_55 : vector<16xi32>
    %jit3A_57 = arith.constant -2147483648 : i32
    %broadcast_in_dim3A_58 = vector.broadcast %jit3A_57 : i32 to vector<16xi32>
    %select_n3A_59 = arith.select %eq3A_56, %broadcast_in_dim3A_58, %get3A_53 : vector<16xi1>, vector<16xi32>
    %swap3A_60 = arith.constant 0 : index
    %swap3A_61 = tpu.vector_load %arg6[%swap3A_60] {strides = array<i32>} : memref<8192xi32, #tpu.memory_space<vmem>>, vector<16xi32>,
    tpu.vector_store %arg6[%swap3A_60], %select_n3A_59 {strides = array<i32>} : memref<8192xi32, #tpu.memory_space<vmem>>, vector<16xi32>,
    %add3A_62 = arith.constant -2147483648 : i32
    %add3A_63 = vector.broadcast %add3A_62 : i32 to vector<16xi32>
    %add3A_64 = arith.addi %broadcast_in_dim3A_4, %add3A_63 : vector<16xi32>
    %scan3A_65 = arith.constant 0 : i32
    %scan3A_66 = arith.constant 32 : i32
    %scan3A_67 = arith.addi %scan3A_65, %scan3A_66 : i32
    %scan3A_68 = arith.constant 1 : i32
    %scan3A_69:3 = scf.for %scan3A_81 = %scan3A_65 to %scan3A_67 step %scan3A_68 iter_args(%scan3A_82 = %broadcast_in_dim3A_4, %scan3A_83 = %add3A_64, %scan3A_84 = %broadcast_in_dim3A_4) -> (vector<16xi32>, vector<16xi32>, vector<16xi32>)  : i32 {
      %or3A = arith.ori %scan3A_82, %scan3A_83 : vector<16xi32>
      %xor3A_85 = arith.constant -2147483648 : i32
      %xor3A_86 = vector.broadcast %xor3A_85 : i32 to vector<16xi32>
      %xor3A_87 = arith.xori %or3A, %xor3A_86 : vector<16xi32>
      %scan3A_88 = arith.constant 0 : i32
      %scan3A_89 = arith.constant 64 : i32
      %scan3A_90 = arith.addi %scan3A_88, %scan3A_89 : i32
      %scan3A_91 = arith.constant 1 : i32
      %scan3A_92 = scf.for %scan3A_96 = %scan3A_88 to %scan3A_90 step %scan3A_91 iter_args(%scan3A_97 = %broadcast_in_dim3A_4) -> (vector<16xi32>)  : i32 {
        %mul3A_98 = arith.constant 128 : i32
        %mul3A_99 = arith.muli %scan3A_96, %mul3A_98 : i32
        %add3A_100 = arith.constant 0 : i32
        %add3A_101 = arith.addi %mul3A_99, %add3A_100 : i32
        %get3A_102 = arith.index_cast %add3A_101 : i32 to index
        %get3A_103 = tpu.vector_load %arg6[%get3A_102] {strides = array<i32>} : memref<8192xi32, #tpu.memory_space<vmem>>, vector<16xi32>,
        %lt3A = arith.cmpi slt, %get3A_103, %xor3A_87 : vector<16xi32>
        %all_reduce_population_count3A = tpu.all_reduce %lt3A {dim = 0 : i64, kind = #tpu.reduction_kind<sum>} : vector<16xi1> -> vector<16xi32>
        %add3A_104 = arith.addi %scan3A_97, %all_reduce_population_count3A : vector<16xi32>
        %mul3A_105 = arith.constant 128 : i32
        %mul3A_106 = arith.muli %scan3A_96, %mul3A_105 : i32
        %add3A_107 = arith.constant 16 : i32
        %add3A_108 = arith.addi %mul3A_106, %add3A_107 : i32
        %get3A_109 = arith.index_cast %add3A_108 : i32 to index
        %get3A_110 = tpu.vector_load %arg6[%get3A_109] {strides = array<i32>} : memref<8192xi32, #tpu.memory_space<vmem>>, vector<16xi32>,
        %lt3A_111 = arith.cmpi slt, %get3A_110, %xor3A_87 : vector<16xi32>
        %all_reduce_population_count3A_112 = tpu.all_reduce %lt3A_111 {dim = 0 : i64, kind = #tpu.reduction_kind<sum>} : vector<16xi1> -> vector<16xi32>
        %add3A_113 = arith.addi %add3A_104, %all_reduce_population_count3A_112 : vector<16xi32>
        %mul3A_114 = arith.constant 128 : i32
        %mul3A_115 = arith.muli %scan3A_96, %mul3A_114 : i32
        %add3A_116 = arith.constant 32 : i32
        %add3A_117 = arith.addi %mul3A_115, %add3A_116 : i32
        %get3A_118 = arith.index_cast %add3A_117 : i32 to index
        %get3A_119 = tpu.vector_load %arg6[%get3A_118] {strides = array<i32>} : memref<8192xi32, #tpu.memory_space<vmem>>, vector<16xi32>,
        %lt3A_120 = arith.cmpi slt, %get3A_119, %xor3A_87 : vector<16xi32>
        %all_reduce_population_count3A_121 = tpu.all_reduce %lt3A_120 {dim = 0 : i64, kind = #tpu.reduction_kind<sum>} : vector<16xi1> -> vector<16xi32>
        %add3A_122 = arith.addi %add3A_113, %all_reduce_population_count3A_121 : vector<16xi32>
        %mul3A_123 = arith.constant 128 : i32
        %mul3A_124 = arith.muli %scan3A_96, %mul3A_123 : i32
        %add3A_125 = arith.constant 48 : i32
        %add3A_126 = arith.addi %mul3A_124, %add3A_125 : i32
        %get3A_127 = arith.index_cast %add3A_126 : i32 to index
        %get3A_128 = tpu.vector_load %arg6[%get3A_127] {strides = array<i32>} : memref<8192xi32, #tpu.memory_space<vmem>>, vector<16xi32>,
        %lt3A_129 = arith.cmpi slt, %get3A_128, %xor3A_87 : vector<16xi32>
        %all_reduce_population_count3A_130 = tpu.all_reduce %lt3A_129 {dim = 0 : i64, kind = #tpu.reduction_kind<sum>} : vector<16xi1> -> vector<16xi32>
        %add3A_131 = arith.addi %add3A_122, %all_reduce_population_count3A_130 : vector<16xi32>
        %mul3A_132 = arith.constant 128 : i32
        %mul3A_133 = arith.muli %scan3A_96, %mul3A_132 : i32
        %add3A_134 = arith.constant 64 : i32
        %add3A_135 = arith.addi %mul3A_133, %add3A_134 : i32
        %get3A_136 = arith.index_cast %add3A_135 : i32 to index
        %get3A_137 = tpu.vector_load %arg6[%get3A_136] {strides = array<i32>} : memref<8192xi32, #tpu.memory_space<vmem>>, vector<16xi32>,
        %lt3A_138 = arith.cmpi slt, %get3A_137, %xor3A_87 : vector<16xi32>
        %all_reduce_population_count3A_139 = tpu.all_reduce %lt3A_138 {dim = 0 : i64, kind = #tpu.reduction_kind<sum>} : vector<16xi1> -> vector<16xi32>
        %add3A_140 = arith.addi %add3A_131, %all_reduce_population_count3A_139 : vector<16xi32>
        %mul3A_141 = arith.constant 128 : i32
        %mul3A_142 = arith.muli %scan3A_96, %mul3A_141 : i32
        %add3A_143 = arith.constant 80 : i32
        %add3A_144 = arith.addi %mul3A_142, %add3A_143 : i32
        %get3A_145 = arith.index_cast %add3A_144 : i32 to index
        %get3A_146 = tpu.vector_load %arg6[%get3A_145] {strides = array<i32>} : memref<8192xi32, #tpu.memory_space<vmem>>, vector<16xi32>,
        %lt3A_147 = arith.cmpi slt, %get3A_146, %xor3A_87 : vector<16xi32>
        %all_reduce_population_count3A_148 = tpu.all_reduce %lt3A_147 {dim = 0 : i64, kind = #tpu.reduction_kind<sum>} : vector<16xi1> -> vector<16xi32>
        %add3A_149 = arith.addi %add3A_140, %all_reduce_population_count3A_148 : vector<16xi32>
        %mul3A_150 = arith.constant 128 : i32
        %mul3A_151 = arith.muli %scan3A_96, %mul3A_150 : i32
        %add3A_152 = arith.constant 96 : i32
        %add3A_153 = arith.addi %mul3A_151, %add3A_152 : i32
        %get3A_154 = arith.index_cast %add3A_153 : i32 to index
        %get3A_155 = tpu.vector_load %arg6[%get3A_154] {strides = array<i32>} : memref<8192xi32, #tpu.memory_space<vmem>>, vector<16xi32>,
        %lt3A_156 = arith.cmpi slt, %get3A_155, %xor3A_87 : vector<16xi32>
        %all_reduce_population_count3A_157 = tpu.all_reduce %lt3A_156 {dim = 0 : i64, kind = #tpu.reduction_kind<sum>} : vector<16xi1> -> vector<16xi32>
        %add3A_158 = arith.addi %add3A_149, %all_reduce_population_count3A_157 : vector<16xi32>
        %mul3A_159 = arith.constant 128 : i32
        %mul3A_160 = arith.muli %scan3A_96, %mul3A_159 : i32
        %add3A_161 = arith.constant 112 : i32
        %add3A_162 = arith.addi %mul3A_160, %add3A_161 : i32
        %get3A_163 = arith.index_cast %add3A_162 : i32 to index
        %get3A_164 = tpu.vector_load %arg6[%get3A_163] {strides = array<i32>} : memref<8192xi32, #tpu.memory_space<vmem>>, vector<16xi32>,
        %lt3A_165 = arith.cmpi slt, %get3A_164, %xor3A_87 : vector<16xi32>
        %all_reduce_population_count3A_166 = tpu.all_reduce %lt3A_165 {dim = 0 : i64, kind = #tpu.reduction_kind<sum>} : vector<16xi1> -> vector<16xi32>
        %add3A_167 = arith.addi %add3A_158, %all_reduce_population_count3A_166 : vector<16xi32>
        scf.yield %add3A_167 : vector<16xi32>
      }
      %scan3A_93 = arith.constant 64 : i32
      %le3A = arith.cmpi sle, %scan3A_92, %sub3A_3 : vector<16xi32>
      %select_n3A_94 = arith.select %le3A, %or3A, %scan3A_82 : vector<16xi1>, vector<16xi32>
      %shift_right_logical3A = arith.shrui %scan3A_83, %add3A_7 : vector<16xi32>
      %select_n3A_95 = arith.select %le3A, %scan3A_92, %scan3A_84 : vector<16xi1>, vector<16xi32>
      scf.yield %select_n3A_94, %shift_right_logical3A, %select_n3A_95 : vector<16xi32>, vector<16xi32>, vector<16xi32>
    }
    %scan3A_70 = arith.constant 32 : i32
    %xor3A_71 = arith.constant -2147483648 : i32
    %xor3A_72 = vector.broadcast %xor3A_71 : i32 to vector<16xi32>
    %xor3A_73 = arith.xori %scan3A_69#0, %xor3A_72 : vector<16xi32>
    %sub3A_74 = arith.subi %get3A_1, %scan3A_69#2 : vector<16xi32>
    %scan3A_75 = arith.constant 0 : i32
    %scan3A_76 = arith.constant 64 : i32
    %scan3A_77 = arith.addi %scan3A_75, %scan3A_76 : i32
    %scan3A_78 = arith.constant 1 : i32
    %scan3A_79 = scf.for %scan3A_81 = %scan3A_75 to %scan3A_77 step %scan3A_78 iter_args(%scan3A_82 = %broadcast_in_dim3A_4) -> (vector<16xi32>)  : i32 {
      %mul3A_83 = arith.constant 128 : i32
      %mul3A_84 = arith.muli %scan3A_81, %mul3A_83 : i32
      %add3A_85 = arith.constant 0 : i32
      %add3A_86 = arith.addi %mul3A_84, %add3A_85 : i32
      %get3A_87 = arith.index_cast %add3A_86 : i32 to index
      %get3A_88 = tpu.vector_load %arg6[%get3A_87] {strides = array<i32>} : memref<8192xi32, #tpu.memory_space<vmem>>, vector<16xi32>,
      %lt3A = arith.cmpi slt, %get3A_88, %xor3A_73 : vector<16xi32>
      %eq3A_89 = arith.cmpi eq, %get3A_88, %xor3A_73 : vector<16xi32>
      %jit3A_90 = arith.constant 1 : i32
      %jit3A_91 = arith.constant 0 : i32
      %broadcast_in_dim3A_92 = vector.broadcast %jit3A_90 : i32 to vector<16xi32>
      %broadcast_in_dim3A_93 = vector.broadcast %jit3A_91 : i32 to vector<16xi32>
      %select_n3A_94 = arith.select %eq3A_89, %broadcast_in_dim3A_92, %broadcast_in_dim3A_93 : vector<16xi1>, vector<16xi32>
      %broadcast_in_dim3A_95 = arith.constant true
      %broadcast_in_dim3A_96 = vector.broadcast %broadcast_in_dim3A_95 : i1 to vector<16xi1>
      %masked_cumsum3A_97 = tpu.scan <sum>, %select_n3A_94 masked %broadcast_in_dim3A_96 : vector<16xi32>, vector<16xi1> -> vector<16xi32>
      %mul3A_98 = arith.muli %select_n3A_94, %sub3A_10 : vector<16xi32>
      %sub3A_99 = arith.subi %masked_cumsum3A_97, %mul3A_98 : vector<16xi32>
      %add3A_100 = arith.addi %sub3A_99, %scan3A_82 : vector<16xi32>
      %lt3A_101 = arith.cmpi slt, %add3A_100, %sub3A_74 : vector<16xi32>
      %and3A = arith.andi %eq3A_89, %lt3A_101 : vector<16xi1>
      %or3A = arith.ori %lt3A, %and3A : vector<16xi1>
      %jit3A_102 = arith.constant 1 : i32
      %jit3A_103 = arith.constant 0 : i32
      %broadcast_in_dim3A_104 = vector.broadcast %jit3A_102 : i32 to vector<16xi32>
      %broadcast_in_dim3A_105 = vector.broadcast %jit3A_103 : i32 to vector<16xi32>
      %select_n3A_106 = arith.select %or3A, %broadcast_in_dim3A_104, %broadcast_in_dim3A_105 : vector<16xi1>, vector<16xi32>
      %swap3A_107 = arith.index_cast %add3A_86 : i32 to index
      %swap3A_108 = tpu.vector_load %arg7[%swap3A_107] {strides = array<i32>} : memref<8192xi32, #tpu.memory_space<vmem>>, vector<16xi32>,
      tpu.vector_store %arg7[%swap3A_107], %select_n3A_106 {strides = array<i32>} : memref<8192xi32, #tpu.memory_space<vmem>>, vector<16xi32>,
      %all_reduce_population_count3A = tpu.all_reduce %eq3A_89 {dim = 0 : i64, kind = #tpu.reduction_kind<sum>} : vector<16xi1> -> vector<16xi32>
      %add3A_109 = arith.addi %scan3A_82, %all_reduce_population_count3A : vector<16xi32>
      %mul3A_110 = arith.constant 128 : i32
      %mul3A_111 = arith.muli %scan3A_81, %mul3A_110 : i32
      %add3A_112 = arith.constant 16 : i32
      %add3A_113 = arith.addi %mul3A_111, %add3A_112 : i32
      %get3A_114 = arith.index_cast %add3A_113 : i32 to index
      %get3A_115 = tpu.vector_load %arg6[%get3A_114] {strides = array<i32>} : memref<8192xi32, #tpu.memory_space<vmem>>, vector<16xi32>,
      %lt3A_116 = arith.cmpi slt, %get3A_115, %xor3A_73 : vector<16xi32>
      %eq3A_117 = arith.cmpi eq, %get3A_115, %xor3A_73 : vector<16xi32>
      %jit3A_118 = arith.constant 1 : i32
      %jit3A_119 = arith.constant 0 : i32
      %broadcast_in_dim3A_120 = vector.broadcast %jit3A_118 : i32 to vector<16xi32>
      %broadcast_in_dim3A_121 = vector.broadcast %jit3A_119 : i32 to vector<16xi32>
      %select_n3A_122 = arith.select %eq3A_117, %broadcast_in_dim3A_120, %broadcast_in_dim3A_121 : vector<16xi1>, vector<16xi32>
      %broadcast_in_dim3A_123 = arith.constant true
      %broadcast_in_dim3A_124 = vector.broadcast %broadcast_in_dim3A_123 : i1 to vector<16xi1>
      %masked_cumsum3A_125 = tpu.scan <sum>, %select_n3A_122 masked %broadcast_in_dim3A_124 : vector<16xi32>, vector<16xi1> -> vector<16xi32>
      %mul3A_126 = arith.muli %select_n3A_122, %sub3A_10 : vector<16xi32>
      %sub3A_127 = arith.subi %masked_cumsum3A_125, %mul3A_126 : vector<16xi32>
      %add3A_128 = arith.addi %sub3A_127, %add3A_109 : vector<16xi32>
      %lt3A_129 = arith.cmpi slt, %add3A_128, %sub3A_74 : vector<16xi32>
      %and3A_130 = arith.andi %eq3A_117, %lt3A_129 : vector<16xi1>
      %or3A_131 = arith.ori %lt3A_116, %and3A_130 : vector<16xi1>
      %jit3A_132 = arith.constant 1 : i32
      %jit3A_133 = arith.constant 0 : i32
      %broadcast_in_dim3A_134 = vector.broadcast %jit3A_132 : i32 to vector<16xi32>
      %broadcast_in_dim3A_135 = vector.broadcast %jit3A_133 : i32 to vector<16xi32>
      %select_n3A_136 = arith.select %or3A_131, %broadcast_in_dim3A_134, %broadcast_in_dim3A_135 : vector<16xi1>, vector<16xi32>
      %swap3A_137 = arith.index_cast %add3A_113 : i32 to index
      %swap3A_138 = tpu.vector_load %arg7[%swap3A_137] {strides = array<i32>} : memref<8192xi32, #tpu.memory_space<vmem>>, vector<16xi32>,
      tpu.vector_store %arg7[%swap3A_137], %select_n3A_136 {strides = array<i32>} : memref<8192xi32, #tpu.memory_space<vmem>>, vector<16xi32>,
      %all_reduce_population_count3A_139 = tpu.all_reduce %eq3A_117 {dim = 0 : i64, kind = #tpu.reduction_kind<sum>} : vector<16xi1> -> vector<16xi32>
      %add3A_140 = arith.addi %add3A_109, %all_reduce_population_count3A_139 : vector<16xi32>
      %mul3A_141 = arith.constant 128 : i32
      %mul3A_142 = arith.muli %scan3A_81, %mul3A_141 : i32
      %add3A_143 = arith.constant 32 : i32
      %add3A_144 = arith.addi %mul3A_142, %add3A_143 : i32
      %get3A_145 = arith.index_cast %add3A_144 : i32 to index
      %get3A_146 = tpu.vector_load %arg6[%get3A_145] {strides = array<i32>} : memref<8192xi32, #tpu.memory_space<vmem>>, vector<16xi32>,
      %lt3A_147 = arith.cmpi slt, %get3A_146, %xor3A_73 : vector<16xi32>
      %eq3A_148 = arith.cmpi eq, %get3A_146, %xor3A_73 : vector<16xi32>
      %jit3A_149 = arith.constant 1 : i32
      %jit3A_150 = arith.constant 0 : i32
      %broadcast_in_dim3A_151 = vector.broadcast %jit3A_149 : i32 to vector<16xi32>
      %broadcast_in_dim3A_152 = vector.broadcast %jit3A_150 : i32 to vector<16xi32>
      %select_n3A_153 = arith.select %eq3A_148, %broadcast_in_dim3A_151, %broadcast_in_dim3A_152 : vector<16xi1>, vector<16xi32>
      %broadcast_in_dim3A_154 = arith.constant true
      %broadcast_in_dim3A_155 = vector.broadcast %broadcast_in_dim3A_154 : i1 to vector<16xi1>
      %masked_cumsum3A_156 = tpu.scan <sum>, %select_n3A_153 masked %broadcast_in_dim3A_155 : vector<16xi32>, vector<16xi1> -> vector<16xi32>
      %mul3A_157 = arith.muli %select_n3A_153, %sub3A_10 : vector<16xi32>
      %sub3A_158 = arith.subi %masked_cumsum3A_156, %mul3A_157 : vector<16xi32>
      %add3A_159 = arith.addi %sub3A_158, %add3A_140 : vector<16xi32>
      %lt3A_160 = arith.cmpi slt, %add3A_159, %sub3A_74 : vector<16xi32>
      %and3A_161 = arith.andi %eq3A_148, %lt3A_160 : vector<16xi1>
      %or3A_162 = arith.ori %lt3A_147, %and3A_161 : vector<16xi1>
      %jit3A_163 = arith.constant 1 : i32
      %jit3A_164 = arith.constant 0 : i32
      %broadcast_in_dim3A_165 = vector.broadcast %jit3A_163 : i32 to vector<16xi32>
      %broadcast_in_dim3A_166 = vector.broadcast %jit3A_164 : i32 to vector<16xi32>
      %select_n3A_167 = arith.select %or3A_162, %broadcast_in_dim3A_165, %broadcast_in_dim3A_166 : vector<16xi1>, vector<16xi32>
      %swap3A_168 = arith.index_cast %add3A_144 : i32 to index
      %swap3A_169 = tpu.vector_load %arg7[%swap3A_168] {strides = array<i32>} : memref<8192xi32, #tpu.memory_space<vmem>>, vector<16xi32>,
      tpu.vector_store %arg7[%swap3A_168], %select_n3A_167 {strides = array<i32>} : memref<8192xi32, #tpu.memory_space<vmem>>, vector<16xi32>,
      %all_reduce_population_count3A_170 = tpu.all_reduce %eq3A_148 {dim = 0 : i64, kind = #tpu.reduction_kind<sum>} : vector<16xi1> -> vector<16xi32>
      %add3A_171 = arith.addi %add3A_140, %all_reduce_population_count3A_170 : vector<16xi32>
      %mul3A_172 = arith.constant 128 : i32
      %mul3A_173 = arith.muli %scan3A_81, %mul3A_172 : i32
      %add3A_174 = arith.constant 48 : i32
      %add3A_175 = arith.addi %mul3A_173, %add3A_174 : i32
      %get3A_176 = arith.index_cast %add3A_175 : i32 to index
      %get3A_177 = tpu.vector_load %arg6[%get3A_176] {strides = array<i32>} : memref<8192xi32, #tpu.memory_space<vmem>>, vector<16xi32>,
      %lt3A_178 = arith.cmpi slt, %get3A_177, %xor3A_73 : vector<16xi32>
      %eq3A_179 = arith.cmpi eq, %get3A_177, %xor3A_73 : vector<16xi32>
      %jit3A_180 = arith.constant 1 : i32
      %jit3A_181 = arith.constant 0 : i32
      %broadcast_in_dim3A_182 = vector.broadcast %jit3A_180 : i32 to vector<16xi32>
      %broadcast_in_dim3A_183 = vector.broadcast %jit3A_181 : i32 to vector<16xi32>
      %select_n3A_184 = arith.select %eq3A_179, %broadcast_in_dim3A_182, %broadcast_in_dim3A_183 : vector<16xi1>, vector<16xi32>
      %broadcast_in_dim3A_185 = arith.constant true
      %broadcast_in_dim3A_186 = vector.broadcast %broadcast_in_dim3A_185 : i1 to vector<16xi1>
      %masked_cumsum3A_187 = tpu.scan <sum>, %select_n3A_184 masked %broadcast_in_dim3A_186 : vector<16xi32>, vector<16xi1> -> vector<16xi32>
      %mul3A_188 = arith.muli %select_n3A_184, %sub3A_10 : vector<16xi32>
      %sub3A_189 = arith.subi %masked_cumsum3A_187, %mul3A_188 : vector<16xi32>
      %add3A_190 = arith.addi %sub3A_189, %add3A_171 : vector<16xi32>
      %lt3A_191 = arith.cmpi slt, %add3A_190, %sub3A_74 : vector<16xi32>
      %and3A_192 = arith.andi %eq3A_179, %lt3A_191 : vector<16xi1>
      %or3A_193 = arith.ori %lt3A_178, %and3A_192 : vector<16xi1>
      %jit3A_194 = arith.constant 1 : i32
      %jit3A_195 = arith.constant 0 : i32
      %broadcast_in_dim3A_196 = vector.broadcast %jit3A_194 : i32 to vector<16xi32>
      %broadcast_in_dim3A_197 = vector.broadcast %jit3A_195 : i32 to vector<16xi32>
      %select_n3A_198 = arith.select %or3A_193, %broadcast_in_dim3A_196, %broadcast_in_dim3A_197 : vector<16xi1>, vector<16xi32>
      %swap3A_199 = arith.index_cast %add3A_175 : i32 to index
      %swap3A_200 = tpu.vector_load %arg7[%swap3A_199] {strides = array<i32>} : memref<8192xi32, #tpu.memory_space<vmem>>, vector<16xi32>,
      tpu.vector_store %arg7[%swap3A_199], %select_n3A_198 {strides = array<i32>} : memref<8192xi32, #tpu.memory_space<vmem>>, vector<16xi32>,
      %all_reduce_population_count3A_201 = tpu.all_reduce %eq3A_179 {dim = 0 : i64, kind = #tpu.reduction_kind<sum>} : vector<16xi1> -> vector<16xi32>
      %add3A_202 = arith.addi %add3A_171, %all_reduce_population_count3A_201 : vector<16xi32>
      %mul3A_203 = arith.constant 128 : i32
      %mul3A_204 = arith.muli %scan3A_81, %mul3A_203 : i32
      %add3A_205 = arith.constant 64 : i32
      %add3A_206 = arith.addi %mul3A_204, %add3A_205 : i32
      %get3A_207 = arith.index_cast %add3A_206 : i32 to index
      %get3A_208 = tpu.vector_load %arg6[%get3A_207] {strides = array<i32>} : memref<8192xi32, #tpu.memory_space<vmem>>, vector<16xi32>,
      %lt3A_209 = arith.cmpi slt, %get3A_208, %xor3A_73 : vector<16xi32>
      %eq3A_210 = arith.cmpi eq, %get3A_208, %xor3A_73 : vector<16xi32>
      %jit3A_211 = arith.constant 1 : i32
      %jit3A_212 = arith.constant 0 : i32
      %broadcast_in_dim3A_213 = vector.broadcast %jit3A_211 : i32 to vector<16xi32>
      %broadcast_in_dim3A_214 = vector.broadcast %jit3A_212 : i32 to vector<16xi32>
      %select_n3A_215 = arith.select %eq3A_210, %broadcast_in_dim3A_213, %broadcast_in_dim3A_214 : vector<16xi1>, vector<16xi32>
      %broadcast_in_dim3A_216 = arith.constant true
      %broadcast_in_dim3A_217 = vector.broadcast %broadcast_in_dim3A_216 : i1 to vector<16xi1>
      %masked_cumsum3A_218 = tpu.scan <sum>, %select_n3A_215 masked %broadcast_in_dim3A_217 : vector<16xi32>, vector<16xi1> -> vector<16xi32>
      %mul3A_219 = arith.muli %select_n3A_215, %sub3A_10 : vector<16xi32>
      %sub3A_220 = arith.subi %masked_cumsum3A_218, %mul3A_219 : vector<16xi32>
      %add3A_221 = arith.addi %sub3A_220, %add3A_202 : vector<16xi32>
      %lt3A_222 = arith.cmpi slt, %add3A_221, %sub3A_74 : vector<16xi32>
      %and3A_223 = arith.andi %eq3A_210, %lt3A_222 : vector<16xi1>
      %or3A_224 = arith.ori %lt3A_209, %and3A_223 : vector<16xi1>
      %jit3A_225 = arith.constant 1 : i32
      %jit3A_226 = arith.constant 0 : i32
      %broadcast_in_dim3A_227 = vector.broadcast %jit3A_225 : i32 to vector<16xi32>
      %broadcast_in_dim3A_228 = vector.broadcast %jit3A_226 : i32 to vector<16xi32>
      %select_n3A_229 = arith.select %or3A_224, %broadcast_in_dim3A_227, %broadcast_in_dim3A_228 : vector<16xi1>, vector<16xi32>
      %swap3A_230 = arith.index_cast %add3A_206 : i32 to index
      %swap3A_231 = tpu.vector_load %arg7[%swap3A_230] {strides = array<i32>} : memref<8192xi32, #tpu.memory_space<vmem>>, vector<16xi32>,
      tpu.vector_store %arg7[%swap3A_230], %select_n3A_229 {strides = array<i32>} : memref<8192xi32, #tpu.memory_space<vmem>>, vector<16xi32>,
      %all_reduce_population_count3A_232 = tpu.all_reduce %eq3A_210 {dim = 0 : i64, kind = #tpu.reduction_kind<sum>} : vector<16xi1> -> vector<16xi32>
      %add3A_233 = arith.addi %add3A_202, %all_reduce_population_count3A_232 : vector<16xi32>
      %mul3A_234 = arith.constant 128 : i32
      %mul3A_235 = arith.muli %scan3A_81, %mul3A_234 : i32
      %add3A_236 = arith.constant 80 : i32
      %add3A_237 = arith.addi %mul3A_235, %add3A_236 : i32
      %get3A_238 = arith.index_cast %add3A_237 : i32 to index
      %get3A_239 = tpu.vector_load %arg6[%get3A_238] {strides = array<i32>} : memref<8192xi32, #tpu.memory_space<vmem>>, vector<16xi32>,
      %lt3A_240 = arith.cmpi slt, %get3A_239, %xor3A_73 : vector<16xi32>
      %eq3A_241 = arith.cmpi eq, %get3A_239, %xor3A_73 : vector<16xi32>
      %jit3A_242 = arith.constant 1 : i32
      %jit3A_243 = arith.constant 0 : i32
      %broadcast_in_dim3A_244 = vector.broadcast %jit3A_242 : i32 to vector<16xi32>
      %broadcast_in_dim3A_245 = vector.broadcast %jit3A_243 : i32 to vector<16xi32>
      %select_n3A_246 = arith.select %eq3A_241, %broadcast_in_dim3A_244, %broadcast_in_dim3A_245 : vector<16xi1>, vector<16xi32>
      %broadcast_in_dim3A_247 = arith.constant true
      %broadcast_in_dim3A_248 = vector.broadcast %broadcast_in_dim3A_247 : i1 to vector<16xi1>
      %masked_cumsum3A_249 = tpu.scan <sum>, %select_n3A_246 masked %broadcast_in_dim3A_248 : vector<16xi32>, vector<16xi1> -> vector<16xi32>
      %mul3A_250 = arith.muli %select_n3A_246, %sub3A_10 : vector<16xi32>
      %sub3A_251 = arith.subi %masked_cumsum3A_249, %mul3A_250 : vector<16xi32>
      %add3A_252 = arith.addi %sub3A_251, %add3A_233 : vector<16xi32>
      %lt3A_253 = arith.cmpi slt, %add3A_252, %sub3A_74 : vector<16xi32>
      %and3A_254 = arith.andi %eq3A_241, %lt3A_253 : vector<16xi1>
      %or3A_255 = arith.ori %lt3A_240, %and3A_254 : vector<16xi1>
      %jit3A_256 = arith.constant 1 : i32
      %jit3A_257 = arith.constant 0 : i32
      %broadcast_in_dim3A_258 = vector.broadcast %jit3A_256 : i32 to vector<16xi32>
      %broadcast_in_dim3A_259 = vector.broadcast %jit3A_257 : i32 to vector<16xi32>
      %select_n3A_260 = arith.select %or3A_255, %broadcast_in_dim3A_258, %broadcast_in_dim3A_259 : vector<16xi1>, vector<16xi32>
      %swap3A_261 = arith.index_cast %add3A_237 : i32 to index
      %swap3A_262 = tpu.vector_load %arg7[%swap3A_261] {strides = array<i32>} : memref<8192xi32, #tpu.memory_space<vmem>>, vector<16xi32>,
      tpu.vector_store %arg7[%swap3A_261], %select_n3A_260 {strides = array<i32>} : memref<8192xi32, #tpu.memory_space<vmem>>, vector<16xi32>,
      %all_reduce_population_count3A_263 = tpu.all_reduce %eq3A_241 {dim = 0 : i64, kind = #tpu.reduction_kind<sum>} : vector<16xi1> -> vector<16xi32>
      %add3A_264 = arith.addi %add3A_233, %all_reduce_population_count3A_263 : vector<16xi32>
      %mul3A_265 = arith.constant 128 : i32
      %mul3A_266 = arith.muli %scan3A_81, %mul3A_265 : i32
      %add3A_267 = arith.constant 96 : i32
      %add3A_268 = arith.addi %mul3A_266, %add3A_267 : i32
      %get3A_269 = arith.index_cast %add3A_268 : i32 to index
      %get3A_270 = tpu.vector_load %arg6[%get3A_269] {strides = array<i32>} : memref<8192xi32, #tpu.memory_space<vmem>>, vector<16xi32>,
      %lt3A_271 = arith.cmpi slt, %get3A_270, %xor3A_73 : vector<16xi32>
      %eq3A_272 = arith.cmpi eq, %get3A_270, %xor3A_73 : vector<16xi32>
      %jit3A_273 = arith.constant 1 : i32
      %jit3A_274 = arith.constant 0 : i32
      %broadcast_in_dim3A_275 = vector.broadcast %jit3A_273 : i32 to vector<16xi32>
      %broadcast_in_dim3A_276 = vector.broadcast %jit3A_274 : i32 to vector<16xi32>
      %select_n3A_277 = arith.select %eq3A_272, %broadcast_in_dim3A_275, %broadcast_in_dim3A_276 : vector<16xi1>, vector<16xi32>
      %broadcast_in_dim3A_278 = arith.constant true
      %broadcast_in_dim3A_279 = vector.broadcast %broadcast_in_dim3A_278 : i1 to vector<16xi1>
      %masked_cumsum3A_280 = tpu.scan <sum>, %select_n3A_277 masked %broadcast_in_dim3A_279 : vector<16xi32>, vector<16xi1> -> vector<16xi32>
      %mul3A_281 = arith.muli %select_n3A_277, %sub3A_10 : vector<16xi32>
      %sub3A_282 = arith.subi %masked_cumsum3A_280, %mul3A_281 : vector<16xi32>
      %add3A_283 = arith.addi %sub3A_282, %add3A_264 : vector<16xi32>
      %lt3A_284 = arith.cmpi slt, %add3A_283, %sub3A_74 : vector<16xi32>
      %and3A_285 = arith.andi %eq3A_272, %lt3A_284 : vector<16xi1>
      %or3A_286 = arith.ori %lt3A_271, %and3A_285 : vector<16xi1>
      %jit3A_287 = arith.constant 1 : i32
      %jit3A_288 = arith.constant 0 : i32
      %broadcast_in_dim3A_289 = vector.broadcast %jit3A_287 : i32 to vector<16xi32>
      %broadcast_in_dim3A_290 = vector.broadcast %jit3A_288 : i32 to vector<16xi32>
      %select_n3A_291 = arith.select %or3A_286, %broadcast_in_dim3A_289, %broadcast_in_dim3A_290 : vector<16xi1>, vector<16xi32>
      %swap3A_292 = arith.index_cast %add3A_268 : i32 to index
      %swap3A_293 = tpu.vector_load %arg7[%swap3A_292] {strides = array<i32>} : memref<8192xi32, #tpu.memory_space<vmem>>, vector<16xi32>,
      tpu.vector_store %arg7[%swap3A_292], %select_n3A_291 {strides = array<i32>} : memref<8192xi32, #tpu.memory_space<vmem>>, vector<16xi32>,
      %all_reduce_population_count3A_294 = tpu.all_reduce %eq3A_272 {dim = 0 : i64, kind = #tpu.reduction_kind<sum>} : vector<16xi1> -> vector<16xi32>
      %add3A_295 = arith.addi %add3A_264, %all_reduce_population_count3A_294 : vector<16xi32>
      %mul3A_296 = arith.constant 128 : i32
      %mul3A_297 = arith.muli %scan3A_81, %mul3A_296 : i32
      %add3A_298 = arith.constant 112 : i32
      %add3A_299 = arith.addi %mul3A_297, %add3A_298 : i32
      %get3A_300 = arith.index_cast %add3A_299 : i32 to index
      %get3A_301 = tpu.vector_load %arg6[%get3A_300] {strides = array<i32>} : memref<8192xi32, #tpu.memory_space<vmem>>, vector<16xi32>,
      %lt3A_302 = arith.cmpi slt, %get3A_301, %xor3A_73 : vector<16xi32>
      %eq3A_303 = arith.cmpi eq, %get3A_301, %xor3A_73 : vector<16xi32>
      %jit3A_304 = arith.constant 1 : i32
      %jit3A_305 = arith.constant 0 : i32
      %broadcast_in_dim3A_306 = vector.broadcast %jit3A_304 : i32 to vector<16xi32>
      %broadcast_in_dim3A_307 = vector.broadcast %jit3A_305 : i32 to vector<16xi32>
      %select_n3A_308 = arith.select %eq3A_303, %broadcast_in_dim3A_306, %broadcast_in_dim3A_307 : vector<16xi1>, vector<16xi32>
      %broadcast_in_dim3A_309 = arith.constant true
      %broadcast_in_dim3A_310 = vector.broadcast %broadcast_in_dim3A_309 : i1 to vector<16xi1>
      %masked_cumsum3A_311 = tpu.scan <sum>, %select_n3A_308 masked %broadcast_in_dim3A_310 : vector<16xi32>, vector<16xi1> -> vector<16xi32>
      %mul3A_312 = arith.muli %select_n3A_308, %sub3A_10 : vector<16xi32>
      %sub3A_313 = arith.subi %masked_cumsum3A_311, %mul3A_312 : vector<16xi32>
      %add3A_314 = arith.addi %sub3A_313, %add3A_295 : vector<16xi32>
      %lt3A_315 = arith.cmpi slt, %add3A_314, %sub3A_74 : vector<16xi32>
      %and3A_316 = arith.andi %eq3A_303, %lt3A_315 : vector<16xi1>
      %or3A_317 = arith.ori %lt3A_302, %and3A_316 : vector<16xi1>
      %jit3A_318 = arith.constant 1 : i32
      %jit3A_319 = arith.constant 0 : i32
      %broadcast_in_dim3A_320 = vector.broadcast %jit3A_318 : i32 to vector<16xi32>
      %broadcast_in_dim3A_321 = vector.broadcast %jit3A_319 : i32 to vector<16xi32>
      %select_n3A_322 = arith.select %or3A_317, %broadcast_in_dim3A_320, %broadcast_in_dim3A_321 : vector<16xi1>, vector<16xi32>
      %swap3A_323 = arith.index_cast %add3A_299 : i32 to index
      %swap3A_324 = tpu.vector_load %arg7[%swap3A_323] {strides = array<i32>} : memref<8192xi32, #tpu.memory_space<vmem>>, vector<16xi32>,
      tpu.vector_store %arg7[%swap3A_323], %select_n3A_322 {strides = array<i32>} : memref<8192xi32, #tpu.memory_space<vmem>>, vector<16xi32>,
      %all_reduce_population_count3A_325 = tpu.all_reduce %eq3A_303 {dim = 0 : i64, kind = #tpu.reduction_kind<sum>} : vector<16xi1> -> vector<16xi32>
      %add3A_326 = arith.addi %add3A_295, %all_reduce_population_count3A_325 : vector<16xi32>
      scf.yield %add3A_326 : vector<16xi32>
    }
    %scan3A_80 = arith.constant 64 : i32
    "tpu.region"() ({
      %run_scoped3A = tpu.sem_alloc : memref<!tpu.dma_semaphore, #tpu.memory_space<semaphore_mem>>
      %dma_start3A = arith.constant 0 : i32
      %dma_start3A_81 = tpu.memref_slice %arg4[%add3A_46, %dma_start3A] : memref<64x8192xi32, #tpu.memory_space<hbm>> -> memref<1x8192xi32, #tpu.memory_space<hbm>>
      %dma_start3A_82 = tpu.memref_squeeze %dma_start3A_81 : memref<1x8192xi32, #tpu.memory_space<hbm>> -> memref<8192xi32, #tpu.memory_space<hbm>>
      %dma_start3A_83 = arith.constant 0 : i32
      %dma_start3A_84 = tpu.memref_slice %arg4[%add3A_46, %dma_start3A_83] : memref<64x8192xi32, #tpu.memory_space<hbm>> -> memref<1x8192xi32, #tpu.memory_space<hbm>>
      %dma_start3A_85 = tpu.memref_squeeze %dma_start3A_84 : memref<1x8192xi32, #tpu.memory_space<hbm>> -> memref<8192xi32, #tpu.memory_space<hbm>>
      tpu.enqueue_dma source(%arg7 : memref<8192xi32, #tpu.memory_space<vmem>>) target(%dma_start3A_85 : memref<8192xi32, #tpu.memory_space<hbm>>) target_semaphore(%run_scoped3A : memref<!tpu.dma_semaphore, #tpu.memory_space<semaphore_mem>>)
      %dma_wait3A = arith.constant 0 : i32
      %dma_wait3A_86 = tpu.memref_slice %arg4[%add3A_46, %dma_wait3A] : memref<64x8192xi32, #tpu.memory_space<hbm>> -> memref<1x8192xi32, #tpu.memory_space<hbm>>
      %dma_wait3A_87 = tpu.memref_squeeze %dma_wait3A_86 : memref<1x8192xi32, #tpu.memory_space<hbm>> -> memref<8192xi32, #tpu.memory_space<hbm>>
      %dma_wait3A_88 = arith.constant 0 : i32
      %dma_wait3A_89 = tpu.memref_slice %arg4[%add3A_46, %dma_wait3A_88] : memref<64x8192xi32, #tpu.memory_space<hbm>> -> memref<1x8192xi32, #tpu.memory_space<hbm>>
      %dma_wait3A_90 = tpu.memref_squeeze %dma_wait3A_89 : memref<1x8192xi32, #tpu.memory_space<hbm>> -> memref<8192xi32, #tpu.memory_space<hbm>>
      tpu.wait_dma2 semaphore(%run_scoped3A : memref<!tpu.dma_semaphore, #tpu.memory_space<semaphore_mem>>) src(%arg7 : memref<8192xi32, #tpu.memory_space<vmem>>) dst(%dma_wait3A_90 : memref<8192xi32, #tpu.memory_space<hbm>>)
      tpu.yield
    }) : () -> ()
    return
  }
}

</mosaic_0001>

<sc_bundles>
// kernel: _select_mask.3.cloned.1.call-start
scs
__scs_entry_jumppad:
0x0: {  	(pc) =	sbr.rel $0x88, $3  }
0x1: {  	(tag) =	ssettag $0x0;
	lr =	simm.s32 $0x1  }
0x2: {  	[smem:$0x3F9F] =	sst lr;
	_ =	strace $0xD0000000  }
0x3: {  	_ = 	snop  }
0x4: {  	_ = 	snop  }
0x5: {  	_ = 	snop  }
0x6: {  	_ = 	snop  }
0x7: {  	_ = 	snop  }
__scs_overlays_trampoline_lowered:
0x8: {  	[smem:$0x3FAE] =	sst s0  }
0x9: {  	[smem:$0x3FAF] =	sst s1  }
0xa: {  	[smem:$0x3FB0] =	sst s2  }
0xb: {  	[smem:$0x3FB1] =	sst s3  }
0xc: {  	[smem:$0x3FB2] =	sst s4  }
0xd: {  	[smem:$0x3FB3] =	sst s5  }
0xe: {  	[smem:$0x3FB4] =	sst s6  }
0xf: {  	[smem:$0x3FB5] =	sst s7  }
0x10: {  	[smem:$0x3FB6] =	sst s8  }
0x11: {  	[smem:$0x3FB7] =	sst s9;
	s0 =	simm.s32 @!p0 $0x0  }
0x12: {  	s1 =	sld [smem:$0x3F9D];
	s0 =	simm.s32 @p0 $0x1  }
0x13: {  	[smem:$0x3FB8] =	sst s0;
	s0 =	simm.s32 @!p1 $0x0  }
0x14: {  	s2 =	sld [smem:$0x3F9C];
	s0 =	simm.s32 @p1 $0x1  }
0x15: {  	[smem:$0x3FB9] =	sst s0;
	s0 =	simm.s32 @!p2 $0x0  }
0x16: {  	s3 =	sld [smem:$0x3FDB];
	s0 =	simm.s32 @p2 $0x1  }
0x17: {  	s4 =	simm.s32 $0x1BF5;
	[smem:$0x3FBB] =	sst s0  }
0x18: {  	s0 =	sld [smem:$0x3F9E];
	_ =	swait.ge [sflag:s4], $0x0  }
0x19: {  	s7 =	sld [smem:$0x3F9F]  }
0x1a: {  	s8 =	sadd.s32 $0xFFFFE003, lr  }
0x1b: {  	s9 =	sadd.s32 $0xFFFFFEF7, lr;
	s5 =	simm.s32 $0xFFFFFFFF;
	p2 =	slt.u32 s8, $0xFFFFF086  }
0x1c: {  	p1 =	slt.u32 s9, $0xF7A;
	s5 =	simm.s32 @!p2 $0x0  }
0x1d: {  	s5 =	simm.s32 @p1 $0x1;
	p0 =	seq.s32 s7, s2  }
0x1e: {  	s7 =	smul.u32 @!p0 $0xF7A, s2;
	p2 =	seq.s32 @!p0 s5, $0x0  }
0x1f: {  	s9 =	smul.u32 $0xF7A, s1;
	s8 =	simm.s32 @!p0 $0x1BF5;
	p2 =	por !p2, p0  }
0x20: {  	[sflag:s8] =	ssyncset.s32 @!p0 $0xFFFFF086;
	s6 =	sadd.s32 @!p0 s3, s7;
	s7 =	simm.s32 @!p0 $0x108  }
0x21: {  	s3 =	sadd.s32 s3, s9;
	s6 =	sadd.s32 @!p0 $0x88, s6;
	s7 =	simm.s32 @p2 $0x1082  }
0x22: {  	[simem:s7], [sflag:s8] =	dma.local @!p0 [hbm:s6], $0xF7A  }
0x23: {  	s9 =	sor.u32 $0xD0000000, s2;
	s6 =	simm.s32 $0x108;
	_ =	swait.ge @!p0 [sflag:s8], $0x0  }
0x24: {  	s3 =	sadd.s32 $0x88, s3;
	s6 =	simm.s32 @!p1 $0x1082;
	[sflag:s4] =	ssyncset.s32 $0xFFFFF086  }
0x25: {  	[simem:s6], [sflag:s4] =	dma.local [hbm:s3], $0xF7A  }
0x26: {  	[smem:$0x3F9F] =	sst s1;
	(tag) =	ssettag s2;
	_ =	strace s9  }
0x27: {  	s1 =	sld [smem:$0x3FAF]  }
0x28: {  	s2 =	sld [smem:$0x3FB0]  }
0x29: {  	s4 =	sld [smem:$0x3FB2]  }
0x2a: {  	p0 =	seq.s32 s5, $0x0;
	s5 =	sld [smem:$0x3FB3]  }
0x2b: {  	s6 =	sld [smem:$0x3FB4]  }
0x2c: {  	s7 =	sld [smem:$0x3FB5]  }
0x2d: {  	s3 =	simm.s32 $0x108;
	s8 =	sld [smem:$0x3FB6]  }
0x2e: {  	s3 =	simm.s32 @!p0 $0x1082;
	s9 =	sld [smem:$0x3FB7]  }
0x2f: {  	lr =	sadd.s32 s0, s3;
	s0 =	sld [smem:$0x3FAE]  }
0x30: {  	s3 =	sld [smem:$0x3FB1]  }
0x31: {  	[smem:$0x3FBA] =	sst s10  }
0x32: {  	s10 =	sld [smem:$0x3FB8];
	_ =	sdelay $0x3  }
0x33: {  	p0 =	seq.s32 s10, $0x1;
	s10 =	sld [smem:$0x3FBA];
	_ =	sdelay $0x3  }
0x34: {  	[smem:$0x3FBA] =	sst s10  }
0x35: {  	s10 =	sld [smem:$0x3FB9];
	_ =	sdelay $0x3  }
0x36: {  	p1 =	seq.s32 s10, $0x1;
	s10 =	sld [smem:$0x3FBA];
	_ =	sdelay $0x3  }
0x37: {  	[smem:$0x3FBA] =	sst s10  }
0x38: {  	s10 =	sld [smem:$0x3FBB]  }
0x39: {  	_ = 	snop;
	(pc) =	sbr.ind lr, $3  }
0x3a: {  	_ = 	snop  }
0x3b: {  	_ = 	snop  }
0x3c: {  	p2 =	seq.s32 s10, $0x1;
	s10 =	sld [smem:$0x3FBA]  }
0x3d: {  	_ =	shalt  }
0x3e: {  	_ =	shalt  }
0x3f: {  	_ =	shalt  }
0x40: {  	_ =	shalt  }
0x41: {  	_ =	shalt  }
0x42: {  	_ =	shalt  }
0x43: {  	_ =	shalt  }
0x44: {  	_ =	shalt  }
0x45: {  	_ =	shalt  }
0x46: {  	_ =	shalt  }
0x47: {  	_ =	shalt  }
0x48: {  	_ =	shalt  }
0x49: {  	_ =	shalt  }
0x4a: {  	_ =	shalt  }
0x4b: {  	_ =	shalt  }
0x4c: {  	_ =	shalt  }
0x4d: {  	_ =	shalt  }
0x4e: {  	_ =	shalt  }
0x4f: {  	_ =	shalt  }
0x50: {  	_ =	shalt  }
0x51: {  	_ =	shalt  }
0x52: {  	_ =	shalt  }
0x53: {  	_ =	shalt  }
0x54: {  	_ =	shalt  }
0x55: {  	_ =	shalt  }
0x56: {  	_ =	shalt  }
0x57: {  	_ =	shalt  }
0x58: {  	_ =	shalt  }
0x59: {  	_ =	shalt  }
0x5a: {  	_ =	shalt  }
0x5b: {  	_ =	shalt  }
0x5c: {  	_ =	shalt  }
0x5d: {  	_ =	shalt  }
0x5e: {  	_ =	shalt  }
0x5f: {  	_ =	shalt  }
0x60: {  	_ =	shalt  }
0x61: {  	_ =	shalt  }
0x62: {  	_ =	shalt  }
0x63: {  	_ =	shalt  }
0x64: {  	_ =	shalt  }
0x65: {  	_ =	shalt  }
0x66: {  	_ =	shalt  }
0x67: {  	_ =	shalt  }
0x68: {  	_ =	shalt  }
0x69: {  	_ =	shalt  }
0x6a: {  	_ =	shalt  }
0x6b: {  	_ =	shalt  }
0x6c: {  	_ =	shalt  }
0x6d: {  	_ =	shalt  }
0x6e: {  	_ =	shalt  }
0x6f: {  	_ =	shalt  }
0x70: {  	_ =	shalt  }
0x71: {  	_ =	shalt  }
0x72: {  	_ =	shalt  }
0x73: {  	_ =	shalt  }
0x74: {  	_ =	shalt  }
0x75: {  	_ =	shalt  }
0x76: {  	_ =	shalt  }
0x77: {  	_ =	shalt  }
0x78: {  	_ =	shalt  }
0x79: {  	_ =	shalt  }
0x7a: {  	_ =	shalt  }
0x7b: {  	_ =	shalt  }
0x7c: {  	_ =	shalt  }
0x7d: {  	_ =	shalt  }
0x7e: {  	_ =	shalt  }
0x7f: {  	_ =	shalt  }
0x80: {  	_ =	shalt  }
0x81: {  	_ =	shalt  }
0x82: {  	_ =	shalt  }
0x83: {  	_ =	shalt  }
0x84: {  	_ =	shalt  }
0x85: {  	_ =	shalt  }
0x86: {  	_ =	shalt  }
0x87: {  	_ =	shalt  }
.Lfunc_end0:
.L_simem_size_0:
called_computation_lowered:
.L_overlay_start_0:
0x88: {  	s2 =	sld [smem:$0x3FD9]  }
0x89: {  	s3 =	sld [smem:$0x3FFE];
	_ =	sdelay $0x1  }
0x8a: {  	s1 =	srdreg.scid  }
0x8b: {  	s0 =	sand.u32 $0x1, s1  }
0x8c: {  	s18 =	sshll.u32 s0, $0xA;
	s2 =	sadd.s32 s3, s2  }
0x8d: {  	s2 =	sadd.s32 s2, s18  }
0x8e: {  	[smem:$0x3FC6] =	sst s2  }
0x8f: {  	_ = 	snop  }
0x90: {  	s2 =	sld [smem:$0x3FC9]  }
0x91: {  	s19 =	sld [smem:$0x3FC8]  }
0x92: {  	s4 =	sld [smem:$0x3FD0];
	(tm) =	ssettm $0x1  }
0x93: {  	s5 =	sld [smem:$0x3FFB];
	_ =	sdelay $0x3  }
0x94: {  	_ =	strace s5  }
0x95: {  	s5 =	sld [smem:$0x3FFC];
	_ =	sdelay $0x3  }
0x96: {  	_ =	strace s5  }
0x97: {  	s5 =	sld [smem:$0x3FFD];
	_ =	sdelay $0x3  }
0x98: {  	_ =	strace s5  }
0x99: {  	_ =	strace $0x8FFFFFFF  }
0x9a: {  	s20 =	sld [smem:$0x3FDB];
	_ =	sdelay $0x1  }
0x9b: {  	s6 =	simm.s32 $_scs_section_size  }
0x9c: {  	s7 =	simm.s32 $_size__tile_overlayer_lowered;
	s8 =	simm.s32 $_tile_overlayer_lowered  }
0x9d: {  	s23 =	simm.s32 $0x1BFF;
	s22 =	sshll.u32 s8, $0x1;
	s5 =	sadd.s32 s6, s20  }
0x9e: {  	s9 =	simm.s32 $0x0;
	s21 =	sshll.u32 s7, $0x1;
	s7 =	sadd.s32 s22, s5  }
0x9f: {  	[timem:s9], [sflag:s23] =	dma.local [hbm:s7], s21  }
0xa0: {  	_ =	swait.ge [sflag:s23], s21  }
0xa1: {  	s6 =	ssub.s32 $0x0, s21;
	[sflag:s23] =	ssyncset.done $0x0  }
0xa2: {  	[sflag:s23] =	ssyncadd.s32 s6;
	_ =	sdelay $0x1  }
0xa3: {  	s24 =	simm.s32 $0x1B8B  }
0xa4: {  	_ =	swait.ge [sflag:s24], $0x1  }
0xa5: {  	[sflag:s24] =	ssyncset.done $0x0  }
0xa6: {  	s25 =	simm.s32 $0x1B8E;
	[sflag:s24] =	ssyncadd.s32 $0xFFFFFFFF  }
0xa7: {  	s26 =	simm.s32 $execute0_lowered;
	[smem:$0x3FD2] =	sst s25  }
0xa8: {  	s6 =	sshll.u32 s26, $0x1;
	_ =	strace $0x80000046;
	[dreg:$0x1] =	wrdreg $0xFFFFFFFF  }
0xa9: {  	s28 =	simm.s32 $_size_execute0_lowered;
	s5 =	sadd.s32 s5, s6;
	[dreg:$0x0] =	wrdreg $0x0  }
0xaa: {  	s6 =	sshll.u32 s28, $0x1;
	[dreg:$0x2] =	wrdreg s5  }
0xab: {  	[dreg:$0x3] =	wrdreg s6  }
0xac: {  	[dreg:$0x4] =	wrdreg $0xC0  }
0xad: {  	_ =	task [dreg:s9], $0x5FFFF  }
0xae: {  	[dreg:$0x1] =	wrdreg $0xFFFFFFFF  }
0xaf: {  	[dreg:$0x0] =	wrdreg $0x60  }
0xb0: {  	[dreg:$0x2] =	wrdreg s2  }
0xb1: {  	[dreg:$0x3] =	wrdreg s19  }
0xb2: {  	[dreg:$0x4] =	wrdreg s4  }
0xb3: {  	[dreg:$0x5] =	wrdreg $0x9  }
0xb4: {  	_ =	task.clear_ibuf [dreg:s9], $0x6FFFF;
	_ =	strace $0x90000046  }
0xb5: {  	s29 =	simm.s32 $0x9;
	_ =	strace $0x80000048  }
0xb6: {  	_ =	swait.ge [sflag:s29], $0x1  }
0xb7: {  	[sflag:s29] =	ssyncadd.s32 $0xFFFFFFFF  }
0xb8: {  	_ =	strace $0x90000048  }
0xb9: {  	_ =	sfence  }
0xba: {  	s30 =	sld [smem:$0x0];
	_ =	sdelay $0x2  }
0xbb: {  	s31 =	sshll.u32 s1, $0xD;
	s1 =	sshrl.u32 s1, $0x2  }
0xbc: {  	s3 =	sand.u32 $0x4000, s31;
	s1 =	sadd.s32 s1, s30  }
0xbd: {  	s0 =	sor.u32 s3, s0;
	s1 =	sshll.u32 s1, $0x11  }
0xbe: {  	s0 =	sor.u32 s1, s0  }
0xbf: {  	s0 =	sadd.s32 $0x8F2B, s0  }
0xc0: {  	[sflag:s0] =	ssyncadd.remote.s32 $0x1  }
0xc1: {  	_ =	sfence.sel $0xFFFF  }
0xc2: {  	[dreg:$0x0] =	wrdreg $0xFFFFFFFF;
	(pc) =	sbr.abs _section_cstart, $3  }
0xc3: {  	[dreg:$0x1] =	wrdreg $0xFFFFFFFF  }
0xc4: {  	_ =	task.clear_ibuf [dreg:s9], $0x2FFFF;
	_ =	strace $0x9FFFFFFF  }
0xc5: {  	(tm) =	ssettm $0x7FFFFFFF  }
tec
execute0_lowered:
.L_overlay_start_1:
0x0: {  	(tag) =	ssettag $0x1  }
0x1: {  	s6 =	rddreg [dreg:$0x0]  }
0x2: {  	s1 =	rddreg [dreg:$0x1]  }
0x3: {  	s7 =	rddreg [dreg:$0x2];
	s3 =	simm.s32 $0x0  }
0x4: {  	[smem:$0x7FF] =	sst s3  }
0x5: {  	s0 =	rddreg [dreg:$0x3];
	s4 =	srdreg.scid;
	v0 =	vimm.s32 $0x1;
	_ =	strace $0x80000047  }
0x6: {  	s2 =	stileid.u32;
	s11 =	simm.s32 $0x80;
	s12 =	simm.s32 $0x400;
	(xrf0) =	vadd.scan.msk.s32 $0xffff, v0  }
0x7: {  	s4 =	sand.u32 $0x1, s4;
	s8 =	sshll.u32 s2, $0x6;
	s9 =	sshll.u32 s2, $0xC  }
0x8: {  	s5 =	ssub.s32 $0x2, s4;
	s4 =	sshll.u32 s4, $0x5;
	s8 =	sand.u32 $0x40, s8  }
0x9: {  	s13 =	simm.s32 $0x4000;
	s9 =	sand.u32 $0xE000, s9;
	s4 =	sor.u32 s4, s8  }
0xa: {  	s14 =	simm.s32 $0x0;
	s10 =	sshrl.u32 s5, $0x1;
	v0 =	vlaneseq.u32;
	s9 =	sor.u32 s9, s4  }
0xb: {  	s31 =	ssub.s32 s5, s10;
	v1 =	vmul.u32 $0xFFFFFFFF, v0;
	s10 =	simm.s32 $0x1;
	s4 =	sadd.s32 s6, s9  }
0xc: {  	s5 =	sadd.s32 s7, s9;
	s9 =	sor.u32 $0x10, s9;
	s8 =	smax.u32 s31, $0x1;
	v2, _, _ =	vpop (xrf0)  }
0xd: {  	v3 =	vimm.s32 $0x0;
	s6 =	sadd.s32 s6, s9;
	s7 =	sadd.s32 s7, s9;
	s9 =	simm.s32 $0x6000;
	v1 =	vadd.s32 v1, v2;
	v2 =	vimm.s32 $0x80000000  }
.LBB2_1:
0xe: {  	[tilespmem:s9], [sflag:$0x1] =	stream.linear.gather [hbm4b:s1+s3], $0x80, $0x38;
	[tilespmem:$0x6080] =	vst v63  }
0xf: {  	_ =	swait.ge [sflag:s10], $0x80  }
0x10: {  	[sflag:s10] =	ssyncset.done $0x0  }
0x11: {  	[sflag:s10] =	ssyncadd.s32 $0xFFFFFF80  }
0x12: {  	v4 =	vld [tilespmem:$0x6000];
	[tilespmem:s3], [sflag:$0x1] =	stream.strided.gather [hbm4b:s4+s11], $0x2000, s12, s11, $0x38  }
0x13: {  	_ =	swait.ge [sflag:s10], $0x2000  }
0x14: {  	[sflag:s10] =	ssyncset.done $0x0  }
0x15: {  	s16 =	simm.s32 $0x0;
	[sflag:s10] =	ssyncadd.s32 $0xFFFFE000  }
0x16: {  	v13 =	vld [tilespmem:s16+$0x70]  }
0x17: {  	v11 =	vld [tilespmem:s16+$0x0]  }
0x18: {  	v10 =	vld [tilespmem:s16+$0x10]  }
0x19: {  	v9 =	vld [tilespmem:s16+$0x20]  }
0x1a: {  	v8 =	vld [tilespmem:s16+$0x30]  }
0x1b: {  	v7 =	vld [tilespmem:s16+$0x40];
	vm0 =	vgt.s32 v13, $0xFFFFFFFF  }
0x1c: {  	v6 =	vld [tilespmem:s16+$0x50];
	vm1 =	vgt.s32 v11, $0xFFFFFFFF;
	v14 =	vsel vm0, $0xFFFFFFFF, v2  }
0x1d: {  	s15 =	simm.s32 $0x80;
	s17 =	simm.s32 $0x400;
	v5 =	vld [tilespmem:s16+$0x60];
	v12 =	vsel vm1, $0xFFFFFFFF, v2;
	vm0 =	vgt.s32 v10, $0xFFFFFFFF;
	v13 =	vxor.u32 v13, v14  }
.LBB2_2:
0x1e: {  	p0 =	sne.s32 s17, $0x7E00;
	v14 =	vld [tilespmem:s15+$0x70];
	v12 =	vxor.u32 v11, v12;
	v15 =	vsel vm0, $0xFFFFFFFF, v2;
	vm0 =	vgt.s32 v9, $0xFFFFFFFF;
	[tilespmem:s16+$0x2070] =	vst v13  }
0x1f: {  	v11 =	vld [tilespmem:s15+$0x0];
	[tilespmem:s16+$0x2000] =	vst v12;
	v12 =	vxor.u32 v10, v15;
	v13 =	vsel vm0, $0xFFFFFFFF, v2;
	vm0 =	vgt.s32 v8, $0xFFFFFFFF  }
0x20: {  	v10 =	vld [tilespmem:s15+$0x10];
	[tilespmem:s16+$0x2010] =	vst v12;
	v12 =	vxor.u32 v9, v13;
	v13 =	vsel vm0, $0xFFFFFFFF, v2;
	vm0 =	vgt.s32 v7, $0xFFFFFFFF  }
.Ltmp0:
0x21: {  	v9 =	vld [tilespmem:s15+$0x20];
	[tilespmem:s16+$0x2020] =	vst v12;
	v12 =	vxor.u32 v8, v13;
	v13 =	vsel vm0, $0xFFFFFFFF, v2;
	vm0 =	vgt.s32 v6, $0xFFFFFFFF;
	(pc) =	sbr.rel @p0 .LBB2_2-.Ltmp0, $4  }
0x22: {  	v8 =	vld [tilespmem:s15+$0x30];
	[tilespmem:s16+$0x2030] =	vst v12;
	v12 =	vxor.u32 v7, v13;
	v13 =	vsel vm0, $0xFFFFFFFF, v2;
	vm0 =	vgt.s32 v5, $0xFFFFFFFF  }
0x23: {  	v7 =	vld [tilespmem:s15+$0x40];
	vm1 =	vgt.s32 v14, $0xFFFFFFFF;
	[tilespmem:s16+$0x2040] =	vst v12;
	v12 =	vxor.u32 v6, v13;
	v13 =	vsel vm0, $0xFFFFFFFF, v2  }
0x24: {  	vm0 =	vgt.s32 v11, $0xFFFFFFFF;
	v6 =	vld [tilespmem:s15+$0x50];
	v15 =	vsel vm1, $0xFFFFFFFF, v2;
	[tilespmem:s16+$0x2050] =	vst v12;
	v16 =	vxor.u32 v5, v13  }
0x25: {  	v12 =	vsel vm0, $0xFFFFFFFF, v2;
	vm0 =	vgt.s32 v10, $0xFFFFFFFF;
	v5 =	vld [tilespmem:s15+$0x60];
	v13 =	vxor.u32 v14, v15;
	[tilespmem:s16+$0x2060] =	vst v16;
	s16 =	smov.u32 s15;
	s15 =	sshra.s32 s17, $0x2;
	s17 =	sadd.s32 $0x200, s17  }
0x26: {  	v14 =	vld [tilespmem:s15+$0x70];
	[tilespmem:s16+$0x2070] =	vst v13;
	v11 =	vxor.u32 v11, v12;
	v56 =	vsel vm0, $0xFFFFFFFF, v2;
	vm15 =	vgt.s32 v9, $0xFFFFFFFF  }
0x27: {  	v55 =	vld [tilespmem:s15+$0x0];
	[tilespmem:s16+$0x2000] =	vst v11;
	v10 =	vxor.u32 v10, v56;
	v57 =	vsel vm15, $0xFFFFFFFF, v2;
	vm4 =	vgt.s32 v8, $0xFFFFFFFF  }
0x28: {  	v11 =	vld [tilespmem:s15+$0x10];
	[tilespmem:s16+$0x2010] =	vst v10;
	v9 =	vxor.u32 v9, v57;
	v58 =	vsel vm4, $0xFFFFFFFF, v2;
	vm5 =	vgt.s32 v7, $0xFFFFFFFF  }
0x29: {  	v10 =	vld [tilespmem:s15+$0x20];
	[tilespmem:s16+$0x2020] =	vst v9;
	v8 =	vxor.u32 v8, v58;
	v59 =	vsel vm5, $0xFFFFFFFF, v2;
	vm6 =	vgt.s32 v6, $0xFFFFFFFF  }
0x2a: {  	v9 =	vld [tilespmem:s15+$0x30];
	[tilespmem:s16+$0x2030] =	vst v8;
	v7 =	vxor.u32 v7, v59;
	v60 =	vsel vm6, $0xFFFFFFFF, v2;
	vm7 =	vgt.s32 v5, $0xFFFFFFFF  }
0x2b: {  	v8 =	vld [tilespmem:s15+$0x40];
	[tilespmem:s16+$0x2040] =	vst v7;
	v6 =	vxor.u32 v6, v60;
	vm1 =	vgt.s32 v14, $0xFFFFFFFF;
	v61 =	vsel vm7, $0xFFFFFFFF, v2  }
0x2c: {  	v7 =	vld [tilespmem:s15+$0x50];
	[tilespmem:s16+$0x2050] =	vst v6;
	vm8 =	vgt.s32 v55, $0xFFFFFFFF;
	v6 =	vsel vm1, $0xFFFFFFFF, v2;
	v5 =	vxor.u32 v5, v61  }
0x2d: {  	v62 =	vld [tilespmem:s15+$0x60];
	v15 =	vsel vm8, $0xFFFFFFFF, v2;
	vm9 =	vgt.s32 v11, $0xFFFFFFFF;
	v6 =	vxor.u32 v14, v6;
	[tilespmem:s16+$0x2060] =	vst v5  }
0x2e: {  	v5 =	vxor.u32 v55, v15;
	v63 =	vsel vm9, $0xFFFFFFFF, v2;
	vm10 =	vgt.s32 v10, $0xFFFFFFFF;
	[tilespmem:s15+$0x2070] =	vst v6  }
0x2f: {  	[tilespmem:s15+$0x2000] =	vst v5;
	v5 =	vxor.u32 v11, v63;
	v6 =	vsel vm10, $0xFFFFFFFF, v2;
	vm11 =	vgt.s32 v9, $0xFFFFFFFF  }
0x30: {  	[tilespmem:s15+$0x2010] =	vst v5;
	v5 =	vxor.u32 v10, v6;
	v6 =	vsel vm11, $0xFFFFFFFF, v2;
	vm12 =	vgt.s32 v8, $0xFFFFFFFF  }
0x31: {  	[tilespmem:s15+$0x2020] =	vst v5;
	v5 =	vxor.u32 v9, v6;
	v6 =	vsel vm12, $0xFFFFFFFF, v2;
	vm13 =	vgt.s32 v7, $0xFFFFFFFF  }
0x32: {  	[tilespmem:s15+$0x2030] =	vst v5;
	v5 =	vxor.u32 v8, v6;
	v6 =	vsel vm13, $0xFFFFFFFF, v2;
	vm14 =	vgt.s32 v62, $0xFFFFFFFF  }
0x33: {  	[tilespmem:s15+$0x2040] =	vst v5;
	v5 =	vxor.u32 v7, v6;
	v6 =	vsel vm14, $0xFFFFFFFF, v2  }
0x34: {  	[tilespmem:s15+$0x2050] =	vst v5;
	v5 =	vxor.u32 v62, v6  }
0x35: {  	[tilespmem:s15+$0x2060] =	vst v5  }
0x36: {  	v6 =	vld [tilespmem:$0x2000];
	_ =	sdelay $0x3  }
0x37: {  	vm15 =	veq.s32 v0, $0x0  }
0x38: {  	v8 =	vimm.s32 $0x80000000;
	v6 =	vsel vm15, $0x80000000, v6  }
0x39: {  	v7 =	vimm.s32 $0x0;
	v5 =	vadd.s32 $0xFFFFFFFF, v4;
	s15 =	simm.s32 $0x0;
	[tilespmem:$0x2000] =	vst v6;
	v6 =	vimm.s32 $0x0  }
.LBB2_4:
0x3a: {  	s18 =	simm.s32 $0x0  }
0x3b: {  	v11 =	vld [tilespmem:s18+$0x2000]  }
0x3c: {  	v12 =	vld [tilespmem:s18+$0x2010]  }
0x3d: {  	v14 =	vld [tilespmem:s18+$0x2020]  }
0x3e: {  	v9 =	vor.u32 v6, v8;
	v15 =	vld [tilespmem:s18+$0x2030]  }
0x3f: {  	v10 =	vxor.u32 $0x80000000, v9;
	v13 =	vld [tilespmem:s18+$0x2040]  }
0x40: {  	vm0 =	vlt.s32 v11, v10;
	v11 =	vld [tilespmem:s18+$0x2050]  }
0x41: {  	v16 =	vmpcnt.ones.xlane vm0;
	vm0 =	vlt.s32 v12, v10;
	v12 =	vld [tilespmem:s18+$0x2060]  }
0x42: {  	s16 =	simm.s32 $0x80;
	s17 =	simm.s32 $0x400;
	v18 =	vimm.s32 $0x0;
	v17 =	vmpcnt.ones.xlane vm0;
	vm0 =	vlt.s32 v14, v10;
	v14 =	vld [tilespmem:s18+$0x2070]  }
.LBB2_5:
0x43: {  	p0 =	sne.s32 s17, $0x7E00;
	v19 =	vld [tilespmem:s16+$0x2000];
	v16 =	vadd.s32 v18, v16;
	v18 =	vmpcnt.ones.xlane vm0;
	vm0 =	vlt.s32 v15, v10  }
0x44: {  	v20 =	vld [tilespmem:s16+$0x2010];
	v15 =	vadd.s32 v17, v16;
	v16 =	vmpcnt.ones.xlane vm0;
	vm0 =	vlt.s32 v13, v10  }
0x45: {  	v21 =	vld [tilespmem:s16+$0x2020];
	v13 =	vadd.s32 v18, v15;
	v17 =	vmpcnt.ones.xlane vm0;
	vm0 =	vlt.s32 v11, v10  }
.Ltmp1:
0x46: {  	v15 =	vld [tilespmem:s16+$0x2030];
	v11 =	vadd.s32 v16, v13;
	v16 =	vmpcnt.ones.xlane vm0;
	vm0 =	vlt.s32 v12, v10;
	(pc) =	sbr.rel @p0 .LBB2_5-.Ltmp1, $4  }
0x47: {  	v13 =	vld [tilespmem:s16+$0x2040];
	v12 =	vadd.s32 v17, v11;
	v17 =	vmpcnt.ones.xlane vm0;
	vm0 =	vlt.s32 v14, v10  }
0x48: {  	vm1 =	vlt.s32 v19, v10;
	v11 =	vld [tilespmem:s16+$0x2050];
	v14 =	vadd.s32 v16, v12;
	v18 =	vmpcnt.ones.xlane vm0  }
0x49: {  	v16 =	vmpcnt.ones.xlane vm1;
	vm0 =	vlt.s32 v20, v10;
	v12 =	vld [tilespmem:s16+$0x2060];
	v19 =	vadd.s32 v17, v14  }
0x4a: {  	v17 =	vmpcnt.ones.xlane vm0;
	vm0 =	vlt.s32 v21, v10;
	v14 =	vld [tilespmem:s16+$0x2070];
	s16 =	sshra.s32 s17, $0x2;
	s17 =	sadd.s32 $0x200, s17;
	v18 =	vadd.s32 v18, v19  }
0x4b: {  	v19 =	vld [tilespmem:s16+$0x2000];
	v16 =	vadd.s32 v18, v16;
	v48 =	vmpcnt.ones.xlane vm0;
	vm15 =	vlt.s32 v15, v10  }
0x4c: {  	v49 =	vld [tilespmem:s16+$0x2010];
	v16 =	vadd.s32 v17, v16;
	v50 =	vmpcnt.ones.xlane vm15;
	vm4 =	vlt.s32 v13, v10  }
0x4d: {  	v51 =	vld [tilespmem:s16+$0x2020];
	v16 =	vadd.s32 v48, v16;
	v52 =	vmpcnt.ones.xlane vm4;
	vm5 =	vlt.s32 v11, v10  }
0x4e: {  	v11 =	vld [tilespmem:s16+$0x2030];
	v16 =	vadd.s32 v50, v16;
	v53 =	vmpcnt.ones.xlane vm5;
	vm6 =	vlt.s32 v12, v10  }
0x4f: {  	v54 =	vld [tilespmem:s16+$0x2040];
	v16 =	vadd.s32 v52, v16;
	v55 =	vmpcnt.ones.xlane vm6;
	vm7 =	vlt.s32 v14, v10  }
0x50: {  	v56 =	vld [tilespmem:s16+$0x2050];
	vm1 =	vlt.s32 v19, v10;
	v16 =	vadd.s32 v53, v16;
	v57 =	vmpcnt.ones.xlane vm7  }
0x51: {  	v58 =	vld [tilespmem:s16+$0x2060];
	vm8 =	vlt.s32 v49, v10;
	v19 =	vmpcnt.ones.xlane vm1;
	v16 =	vadd.s32 v55, v16  }
0x52: {  	v60 =	vld [tilespmem:s16+$0x2070];
	vm9 =	vlt.s32 v51, v10;
	v59 =	vmpcnt.ones.xlane vm8;
	v16 =	vadd.s32 v57, v16  }
0x53: {  	v61 =	vmpcnt.ones.xlane vm9;
	vm10 =	vlt.s32 v11, v10;
	v16 =	vadd.s32 v16, v19  }
0x54: {  	vm11 =	vlt.s32 v54, v10;
	v62 =	vmpcnt.ones.xlane vm10;
	v11 =	vadd.s32 v59, v16  }
0x55: {  	vm12 =	vlt.s32 v56, v10;
	v12 =	vmpcnt.ones.xlane vm11;
	v11 =	vadd.s32 v61, v11  }
0x56: {  	s15 =	sadd.s32 $0x1, s15;
	vm13 =	vlt.s32 v58, v10;
	v14 =	vmpcnt.ones.xlane vm12;
	v11 =	vadd.s32 v62, v11  }
0x57: {  	p0 =	sne.s32 s15, $0x20;
	vm14 =	vlt.s32 v60, v10;
	v63 =	vmpcnt.ones.xlane vm13;
	v11 =	vadd.s32 v12, v11  }
.Ltmp2:
0x58: {  	v10 =	vadd.s32 v14, v11;
	v11 =	vmpcnt.ones.xlane vm14;
	(pc) =	sbr.rel @p0 .LBB2_4-.Ltmp2, $4  }
0x59: {  	v10 =	vadd.s32 v63, v10  }
0x5a: {  	v10 =	vadd.s32 v11, v10  }
0x5b: {  	vm15 =	vgt.s32 v10, v5  }
0x5c: {  	v8 =	vshrl.u32 v8, $0x1;
	v6 =	vsel vm15, v6, v9;
	v7 =	vsel vm15, v7, v10  }
0x5d: {  	s15 =	simm.s32 $0x0  }
0x5e: {  	v8 =	vld [tilespmem:s15+$0x2000]  }
0x5f: {  	v10 =	vld [tilespmem:s15+$0x2010]  }
0x60: {  	v9 =	vld [tilespmem:s15+$0x2020]  }
0x61: {  	v11 =	vld [tilespmem:s15+$0x2030]  }
0x62: {  	v12 =	vld [tilespmem:s15+$0x2040]  }
0x63: {  	v13 =	vld [tilespmem:s15+$0x2050]  }
0x64: {  	v14 =	vld [tilespmem:s15+$0x2060]  }
0x65: {  	v15 =	vld [tilespmem:s15+$0x2070]  }
0x66: {  	v6 =	vxor.u32 $0x80000000, v6;
	v7 =	vsub.s32 v4, v7  }
0x67: {  	v16 =	vimm.s32 $0x0;
	vm0 =	vlt.s32 v8, v6;
	vm1 =	veq.s32 v8, v6  }
0x68: {  	vm2 =	veq.s32 v10, v6;
	vm3 =	veq.s32 v9, v6;
	vm4 =	veq.s32 v11, v6  }
0x69: {  	vm5 =	veq.s32 v12, v6;
	vm6 =	veq.s32 v13, v6;
	vm8 =	veq.s32 v14, v6  }
0x6a: {  	vm7 =	veq.s32 v15, v6;
	v8 =	vsel vm1, $0x1, v3;
	v17 =	vmpcnt.ones.xlane vm1  }
0x6b: {  	v18 =	vsel vm2, $0x1, v3;
	v19 =	vmpcnt.ones.xlane vm2;
	v21 =	vmpcnt.ones.xlane vm4  }
0x6c: {  	v23 =	vmpcnt.ones.xlane vm6;
	v24 =	vmpcnt.ones.xlane vm7;
	v25 =	vsel vm4, $0x1, v3;
	(xrf0) =	vadd.scan.msk.s32 $0xffff, v8  }
0x6d: {  	v26 =	vsel vm5, $0x1, v3;
	v28 =	vsel vm8, $0x1, v3;
	(xrf0) =	vadd.scan.msk.s32 $0xffff, v18;
	v18 =	vsel vm3, $0x1, v3  }
0x6e: {  	v57 =	vnsel vm1, $0x0, v1;
	v58 =	vnsel vm2, $0x0, v1;
	v29 =	vsel vm7, $0x1, v3;
	(xrf0) =	vadd.scan.msk.s32 $0xffff, v18  }
0x6f: {  	v59 =	vnsel vm3, $0x0, v1;
	v30 =	vnsel vm4, $0x0, v1;
	v18 =	vsel vm6, $0x1, v3;
	(xrf0) =	vadd.scan.msk.s32 $0xffff, v25  }
0x70: {  	v31 =	vnsel vm5, $0x0, v1;
	v32 =	vnsel vm6, $0x0, v1;
	v33 =	vnsel vm8, $0x0, v1;
	(xrf0) =	vadd.scan.msk.s32 $0xffff, v26  }
0x71: {  	v34 =	vnsel vm7, $0x0, v1;
	v20 =	vadd.s32 v16, v17;
	v17 =	vmpcnt.ones.xlane vm3;
	(xrf0) =	vadd.scan.msk.s32 $0xffff, v18  }
0x72: {  	v8 =	vmpcnt.ones.xlane vm8;
	v16 =	vsub.s32 v16, v57;
	v19 =	vadd.s32 v20, v19;
	v18, _, _ =	vpop (xrf0)  }
0x73: {  	v20 =	vsub.s32 v20, v58;
	v22 =	vadd.s32 v19, v17;
	v17 =	vmpcnt.ones.xlane vm5;
	v60, _, _ =	vpop (xrf0)  }
0x74: {  	v21 =	vadd.s32 v22, v21;
	(xrf0) =	vadd.scan.msk.s32 $0xffff, v28;
	v16 =	vadd.s32 v18, v16;
	v61, _, _ =	vpop (xrf0);
	v18 =	vadd.s32 v60, v20  }
0x75: {  	v19 =	vsub.s32 v19, v59;
	v22 =	vsub.s32 v22, v30;
	v17 =	vadd.s32 v21, v17;
	(xrf0) =	vadd.scan.msk.s32 $0xffff, v29;
	v62, _, _ =	vpop (xrf0)  }
0x76: {  	v21 =	vsub.s32 v21, v31;
	v23 =	vadd.s32 v17, v23;
	v32 =	vsub.s32 v17, v32;
	v63, _, _ =	vpop (xrf0)  }
0x77: {  	v27 =	vadd.s32 v23, v8;
	v19 =	vadd.s32 v61, v19;
	vm9 =	vlt.s32 v18, v7;
	v18, _, _ =	vpop (xrf0)  }
0x78: {  	v23 =	vsub.s32 v23, v33;
	v8 =	vadd.s32 v27, v24;
	v18 =	vadd.s32 v18, v32  }
0x79: {  	v17 =	vsub.s32 v27, v34;
	vm14 =	vlt.s32 v16, v7;
	v20 =	vadd.s32 v62, v22  }
0x7a: {  	vm10 =	vlt.s32 v19, v7;
	v16 =	vadd.s32 v63, v21;
	vm11 =	vlt.s32 v20, v7;
	v19, _, _ =	vpop (xrf0)  }
0x7b: {  	s16 =	simm.s32 $0x200;
	s17 =	simm.s32 $0x400;
	vm13 =	vlt.s32 v16, v7;
	vm12 =	vlt.s32 v18, v7;
	v16 =	vadd.s32 v19, v23;
	v18, _, _ =	vpop (xrf0)  }
.LBB2_8:
0x7c: {  	p0 =	sne.s32 s17, $0x7E00;
	vm1 =	vmand vm1, vm14;
	vm14 =	vlt.s32 v16, v7;
	v17 =	vadd.s32 v18, v17;
	v16 =	vmovc v8  }
0x7d: {  	vm2 =	vmand vm2, vm9;
	vm8 =	vmand vm8, vm14;
	vm9 =	vlt.s32 v17, v7  }
0x7e: {  	vm3 =	vmand vm3, vm10;
	vm4 =	vmand vm4, vm11;
	vm7 =	vmand vm7, vm9  }
0x7f: {  	vm5 =	vmand vm5, vm13;
	vm6 =	vmand vm6, vm12;
	vm9 =	vlt.s32 v10, v6  }
0x80: {  	vm10 =	vlt.s32 v9, v6;
	vm11 =	vlt.s32 v11, v6;
	vm12 =	vlt.s32 v12, v6  }
0x81: {  	s18 =	sshra.s32 s16, $0x2;
	vm13 =	vlt.s32 v13, v6;
	vm15 =	vlt.s32 v15, v6;
	s16 =	smov.u32 s17;
	vm14 =	vlt.s32 v14, v6  }
0x82: {  	vm0 =	vmor vm0, vm1;
	vm1 =	vmor vm14, vm8;
	vm7 =	vmor vm15, vm7;
	v13 =	vld [tilespmem:s18+$0x2000]  }
0x83: {  	vm3 =	vmor vm10, vm3;
	vm4 =	vmor vm11, vm4;
	vm2 =	vmor vm9, vm2;
	v10 =	vld [tilespmem:s18+$0x2010]  }
0x84: {  	vm5 =	vmor vm12, vm5;
	vm6 =	vmor vm13, vm6;
	v12 =	vsel vm7, $0x1, v3;
	v9 =	vld [tilespmem:s18+$0x2020]  }
0x85: {  	v14 =	vsel vm0, $0x1, v3;
	v17 =	vsel vm1, $0x1, v3;
	v15 =	vsel vm2, $0x1, v3;
	v11 =	vld [tilespmem:s18+$0x2030];
	[tilespmem:s15+$0x4070] =	vst v12  }
0x86: {  	v18 =	vsel vm3, $0x1, v3;
	v19 =	vsel vm4, $0x1, v3;
	v20 =	vsel vm5, $0x1, v3;
	v12 =	vld [tilespmem:s18+$0x2040];
	[tilespmem:s15+$0x4060] =	vst v17  }
0x87: {  	v17 =	vsel vm6, $0x1, v3;
	vm0 =	vlt.s32 v13, v6;
	vm1 =	veq.s32 v13, v6;
	v13 =	vld [tilespmem:s18+$0x2050];
	[tilespmem:s15+$0x4000] =	vst v14  }
0x88: {  	v21 =	vsel vm1, $0x1, v3;
	v22 =	vmpcnt.ones.xlane vm1;
	vm2 =	veq.s32 v10, v6;
	v14 =	vld [tilespmem:s18+$0x2060];
	[tilespmem:s15+$0x4010] =	vst v15  }
0x89: {  	v23 =	vsel vm2, $0x1, v3;
	v24 =	vmpcnt.ones.xlane vm2;
	vm3 =	veq.s32 v9, v6;
	v15 =	vld [tilespmem:s18+$0x2070];
	(xrf0) =	vadd.scan.msk.s32 $0xffff, v21  }
0x8a: {  	v21 =	vadd.s32 v8, v22;
	v8 =	vmpcnt.ones.xlane vm3;
	vm4 =	veq.s32 v11, v6;
	(xrf0) =	vadd.scan.msk.s32 $0xffff, v23  }
0x8b: {  	v22 =	vadd.s32 v21, v24;
	v23 =	vmpcnt.ones.xlane vm4;
	vm5 =	veq.s32 v12, v6;
	[tilespmem:s15+$0x4020] =	vst v18  }
0x8c: {  	v18 =	vadd.s32 v22, v8;
	v8 =	vmpcnt.ones.xlane vm5;
	vm6 =	veq.s32 v13, v6;
	[tilespmem:s15+$0x4030] =	vst v19  }
0x8d: {  	v19 =	vadd.s32 v18, v23;
	v23 =	vmpcnt.ones.xlane vm6;
	vm8 =	veq.s32 v14, v6;
	[tilespmem:s15+$0x4040] =	vst v20  }
0x8e: {  	v20 =	vadd.s32 v19, v8;
	v8 =	vmpcnt.ones.xlane vm8;
	vm7 =	veq.s32 v15, v6;
	[tilespmem:s15+$0x4050] =	vst v17;
	s15 =	smov.u32 s18  }
0x8f: {  	v17 =	vsel vm3, $0x1, v3;
	v23 =	vadd.s32 v20, v23;
	v24 =	vmpcnt.ones.xlane vm7;
	v25, _, _ =	vpop (xrf0)  }
0x90: {  	v26 =	vsel vm4, $0x1, v3;
	v27 =	vsel vm5, $0x1, v3;
	v28 =	vadd.s32 v23, v8;
	v29, _, _ =	vpop (xrf0);
	(xrf0) =	vadd.scan.msk.s32 $0xffff, v17  }
0x91: {  	v30 =	vsel vm8, $0x1, v3;
	v17 =	vsel vm6, $0x1, v3;
	v8 =	vadd.s32 v28, v24;
	(xrf0) =	vadd.scan.msk.s32 $0xffff, v26  }
0x92: {  	v31 =	vsel vm7, $0x1, v3;
	v24 =	vnsel vm1, $0x0, v1;
	v26 =	vnsel vm2, $0x0, v1;
	(xrf0) =	vadd.scan.msk.s32 $0xffff, v27  }
0x93: {  	v32 =	vnsel vm4, $0x0, v1;
	v33 =	vnsel vm5, $0x0, v1;
	v27 =	vnsel vm3, $0x0, v1;
	(xrf0) =	vadd.scan.msk.s32 $0xffff, v17  }
0x94: {  	v34 =	vnsel vm8, $0x0, v1;
	v35 =	vnsel vm7, $0x0, v1;
	v17 =	vnsel vm6, $0x0, v1;
	(xrf0) =	vadd.scan.msk.s32 $0xffff, v30  }
0x95: {  	v23 =	vsub.s32 v23, v34;
	v20 =	vsub.s32 v20, v17;
	v17 =	vsub.s32 v28, v35;
	(xrf0) =	vadd.scan.msk.s32 $0xffff, v31  }
0x96: {  	v18 =	vsub.s32 v18, v32;
	v19 =	vsub.s32 v19, v33;
	v22 =	vsub.s32 v22, v27;
	v27, _, _ =	vpop (xrf0)  }
.Ltmp3:
0x97: {  	v16 =	vsub.s32 v16, v24;
	v21 =	vsub.s32 v21, v26;
	v22 =	vadd.s32 v27, v22;
	v24, _, _ =	vpop (xrf0);
	(pc) =	sbr.rel @p0 .LBB2_8-.Ltmp3, $4  }
0x98: {  	v16 =	vadd.s32 v25, v16;
	v21 =	vadd.s32 v29, v21;
	v18 =	vadd.s32 v24, v18;
	v24, _, _ =	vpop (xrf0)  }
0x99: {  	vm14 =	vlt.s32 v16, v7;
	vm9 =	vlt.s32 v21, v7;
	v16 =	vadd.s32 v24, v19;
	v19, _, _ =	vpop (xrf0)  }
0x9a: {  	vm10 =	vlt.s32 v22, v7;
	vm11 =	vlt.s32 v18, v7;
	v20 =	vadd.s32 v19, v20;
	v19, _, _ =	vpop (xrf0)  }
0x9b: {  	s17 =	sadd.s32 $0x200, s17;
	vm13 =	vlt.s32 v16, v7;
	vm12 =	vlt.s32 v20, v7;
	v16 =	vadd.s32 v19, v23;
	v18, _, _ =	vpop (xrf0)  }
0x9c: {  	vm1 =	vmand vm1, vm14;
	vm14 =	vlt.s32 v16, v7  }
0x9d: {  	v47 =	vadd.s32 v18, v17;
	vm2 =	vmand vm2, vm9;
	vm3 =	vmand vm3, vm10  }
0x9e: {  	vm4 =	vmand vm4, vm11;
	vm9 =	vlt.s32 v10, v6;
	vm5 =	vmand vm5, vm13  }
0x9f: {  	vm6 =	vmand vm6, vm12;
	vm10 =	vlt.s32 v9, v6;
	vm11 =	vlt.s32 v15, v6  }
0xa0: {  	s16 =	sshra.s32 s16, $0x2;
	vm12 =	vlt.s32 v11, v6;
	vm13 =	vlt.s32 v12, v6;
	vm8 =	vmand vm8, vm14  }
0xa1: {  	vm15 =	vlt.s32 v47, v7;
	v10 =	vld [tilespmem:s16+$0x2000];
	vm14 =	vlt.s32 v14, v6;
	vm0 =	vmor vm0, vm1  }
0xa2: {  	v9 =	vld [tilespmem:s16+$0x2010];
	vm2 =	vmor vm9, vm2;
	vm3 =	vmor vm10, vm3;
	vm7 =	vmand vm7, vm15  }
0xa3: {  	v11 =	vld [tilespmem:s16+$0x2020];
	vm4 =	vmor vm12, vm4;
	vm1 =	vmor vm14, vm8;
	vm7 =	vmor vm11, vm7  }
0xa4: {  	v15 =	vsel vm0, $0x1, v3;
	v48 =	vsel vm3, $0x1, v3;
	v12 =	vsel vm7, $0x1, v3  }
0xa5: {  	v49 =	vsel vm4, $0x1, v3;
	vm11 =	vlt.s32 v13, v6;
	v13 =	vld [tilespmem:s16+$0x2030];
	[tilespmem:s15+$0x4070] =	vst v12;
	v12 =	vsel vm1, $0x1, v3  }
0xa6: {  	vm14 =	vmor vm11, vm6;
	vm1 =	vmor vm13, vm5;
	v14 =	vld [tilespmem:s16+$0x2040];
	[tilespmem:s15+$0x4060] =	vst v12;
	v12 =	vsel vm2, $0x1, v3  }
0xa7: {  	v19 =	vsel vm1, $0x1, v3;
	vm0 =	vlt.s32 v10, v6;
	vm3 =	veq.s32 v10, v6  }
0xa8: {  	v10 =	vsel vm14, $0x1, v3;
	vm4 =	veq.s32 v9, v6;
	vm5 =	veq.s32 v11, v6  }
0xa9: {  	v50 =	vld [tilespmem:s16+$0x2050];
	[tilespmem:s15+$0x4000] =	vst v15;
	v15 =	vmpcnt.ones.xlane vm3;
	v21 =	vsel vm3, $0x1, v3;
	v23 =	vmpcnt.ones.xlane vm5  }
0xaa: {  	v27 =	vsel vm4, $0x1, v3;
	v53 =	vsel vm5, $0x1, v3;
	v55 =	vnsel vm3, $0x0, v1  }
0xab: {  	v31 =	vnsel vm4, $0x0, v1;
	v56 =	vnsel vm5, $0x0, v1;
	vm6 =	veq.s32 v13, v6  }
0xac: {  	v20 =	vld [tilespmem:s16+$0x2060];
	[tilespmem:s15+$0x4010] =	vst v12;
	v12 =	vmpcnt.ones.xlane vm4;
	v15 =	vadd.s32 v8, v15;
	v24 =	vmpcnt.ones.xlane vm6  }
0xad: {  	(xrf0) =	vadd.scan.msk.s32 $0xffff, v21;
	v28 =	vsel vm6, $0x1, v3;
	v33 =	vnsel vm6, $0x0, v1;
	v8 =	vsub.s32 v8, v55  }
0xae: {  	v22 =	vld [tilespmem:s16+$0x2070];
	(xrf0) =	vadd.scan.msk.s32 $0xffff, v27;
	v12 =	vadd.s32 v15, v12;
	v15 =	vsub.s32 v15, v31;
	vm1 =	veq.s32 v14, v6  }
0xaf: {  	(xrf0) =	vadd.scan.msk.s32 $0xffff, v53;
	v23 =	vadd.s32 v12, v23;
	v12 =	vsub.s32 v12, v56;
	v25 =	vmpcnt.ones.xlane vm1  }
0xb0: {  	(xrf0) =	vadd.scan.msk.s32 $0xffff, v28;
	vm2 =	veq.s32 v50, v6;
	v24 =	vadd.s32 v23, v24;
	v29 =	vsel vm1, $0x1, v3  }
0xb1: {  	v60 =	vnsel vm1, $0x0, v1;
	v23 =	vsub.s32 v23, v33;
	v54 =	vsel vm2, $0x1, v3;
	(xrf0) =	vadd.scan.msk.s32 $0xffff, v29  }
0xb2: {  	v26 =	vmpcnt.ones.xlane vm2;
	vm7 =	veq.s32 v20, v6;
	v57 =	vnsel vm2, $0x0, v1;
	(xrf0) =	vadd.scan.msk.s32 $0xffff, v54  }
0xb3: {  	v51 =	vadd.s32 v24, v25;
	v52 =	vmpcnt.ones.xlane vm7;
	vm8 =	veq.s32 v22, v6;
	v35, _, _ =	vpop (xrf0)  }
0xb4: {  	v30 =	vsel vm7, $0x1, v3;
	v34 =	vnsel vm7, $0x0, v1;
	v24 =	vsub.s32 v24, v60;
	v59, _, _ =	vpop (xrf0)  }
0xb5: {  	v26 =	vadd.s32 v51, v26;
	v32 =	vsel vm8, $0x1, v3;
	(xrf0) =	vadd.scan.msk.s32 $0xffff, v30;
	v61, _, _ =	vpop (xrf0);
	v15 =	vadd.s32 v59, v15  }
0xb6: {  	v21 =	vsub.s32 v51, v57;
	v58 =	vnsel vm8, $0x0, v1;
	v8 =	vadd.s32 v35, v8;
	(xrf0) =	vadd.scan.msk.s32 $0xffff, v32;
	v62, _, _ =	vpop (xrf0)  }
0xb7: {  	v25 =	vadd.s32 v26, v52;
	v26 =	vsub.s32 v26, v34;
	vm9 =	vlt.s32 v8, v7;
	v63, _, _ =	vpop (xrf0)  }
0xb8: {  	v25 =	vsub.s32 v25, v58;
	v12 =	vadd.s32 v61, v12;
	vm10 =	vlt.s32 v15, v7;
	v15, _, _ =	vpop (xrf0)  }
0xb9: {  	vm3 =	vmand vm3, vm9;
	vm11 =	vlt.s32 v12, v7;
	v12 =	vadd.s32 v15, v21  }
0xba: {  	vm9 =	vlt.s32 v22, v6;
	v23 =	vadd.s32 v62, v23;
	vm4 =	vmand vm4, vm10  }
0xbb: {  	vm0 =	vmor vm0, vm3;
	vm12 =	vlt.s32 v23, v7;
	v8 =	vadd.s32 v63, v24;
	v15, _, _ =	vpop (xrf0)  }
0xbc: {  	vm13 =	vlt.s32 v8, v7;
	vm14 =	vlt.s32 v12, v7;
	v8 =	vadd.s32 v15, v26;
	v12, _, _ =	vpop (xrf0)  }
0xbd: {  	[tilespmem:s15+$0x4020] =	vst v48;
	vm6 =	vmand vm6, vm12;
	vm15 =	vlt.s32 v8, v7;
	v8 =	vadd.s32 v12, v25  }
0xbe: {  	[tilespmem:s15+$0x4030] =	vst v49;
	vm12 =	vlt.s32 v20, v6;
	vm7 =	vmand vm7, vm15;
	vm15 =	vlt.s32 v8, v7  }
0xbf: {  	[tilespmem:s15+$0x4040] =	vst v19;
	vm3 =	vlt.s32 v11, v6;
	vm7 =	vmor vm12, vm7;
	vm8 =	vmand vm8, vm15  }
0xc0: {  	[tilespmem:s15+$0x4050] =	vst v10;
	v8 =	vsel vm7, $0x1, v3;
	vm15 =	vlt.s32 v9, v6;
	vm8 =	vmor vm9, vm8  }
0xc1: {  	vm5 =	vmand vm5, vm11;
	[tilespmem:s16+$0x4060] =	vst v8;
	vm4 =	vmor vm15, vm4;
	v7 =	vsel vm8, $0x1, v3  }
0xc2: {  	vm3 =	vmor vm3, vm5;
	vm1 =	vmand vm1, vm13;
	v8 =	vsel vm4, $0x1, v3;
	[tilespmem:s16+$0x4070] =	vst v7  }
0xc3: {  	vm2 =	vmand vm2, vm14;
	v7 =	vsel vm0, $0x1, v3;
	vm0 =	vlt.s32 v13, v6;
	[tilespmem:s16+$0x4010] =	vst v8  }
0xc4: {  	vm15 =	vlt.s32 v14, v6;
	[tilespmem:s16+$0x4000] =	vst v7;
	vm0 =	vmor vm0, vm6;
	v7 =	vsel vm3, $0x1, v3  }
0xc5: {  	vm1 =	vmor vm15, vm1;
	vm3 =	vlt.s32 v50, v6;
	v6 =	vsel vm0, $0x1, v3;
	[tilespmem:s16+$0x4020] =	vst v7  }
0xc6: {  	vm0 =	vmor vm3, vm2;
	v7 =	vsel vm1, $0x1, v3;
	[tilespmem:s16+$0x4030] =	vst v6  }
0xc7: {  	v6 =	vsel vm0, $0x1, v3;
	[tilespmem:s16+$0x4040] =	vst v7  }
0xc8: {  	[tilespmem:s16+$0x4050] =	vst v6  }
0xc9: {  	[hbm4b:s5+s11] =	stream.strided.scatter [tilespmem:s13], [sflag:$0x1], $0x2000, s12, s11, $0x38;
	[tilespmem:$0x6080] =	vst v63  }
0xca: {  	_ =	swait.ge [sflag:s10], $0x2000  }
0xcb: {  	[sflag:s10] =	ssyncset.done $0x0  }
0xcc: {  	s31 =	simm.s32 $0x0;
	[sflag:s10] =	ssyncadd.s32 $0xFFFFE000  }
0xcd: {  	[tilespmem:s31], [sflag:$0x1] =	stream.strided.gather [hbm4b:s6+s11], $0x2000, s12, s11, $0x38;
	[tilespmem:$0x6080] =	vst v63  }
0xce: {  	_ =	swait.ge [sflag:s10], $0x2000  }
0xcf: {  	[sflag:s10] =	ssyncset.done $0x0  }
0xd0: {  	s16 =	simm.s32 $0x0;
	[sflag:s10] =	ssyncadd.s32 $0xFFFFE000  }
0xd1: {  	v14 =	vld [tilespmem:s16+$0x70]  }
0xd2: {  	v12 =	vld [tilespmem:s16+$0x0]  }
0xd3: {  	v11 =	vld [tilespmem:s16+$0x10]  }
0xd4: {  	v10 =	vld [tilespmem:s16+$0x20]  }
0xd5: {  	v9 =	vld [tilespmem:s16+$0x30]  }
0xd6: {  	v8 =	vld [tilespmem:s16+$0x40];
	vm0 =	vgt.s32 v14, $0xFFFFFFFF  }
0xd7: {  	v7 =	vld [tilespmem:s16+$0x50];
	vm1 =	vgt.s32 v12, $0xFFFFFFFF;
	v15 =	vsel vm0, $0xFFFFFFFF, v2  }
0xd8: {  	s17 =	simm.s32 $0x400;
	s15 =	simm.s32 $0x80;
	v6 =	vld [tilespmem:s16+$0x60];
	v13 =	vsel vm1, $0xFFFFFFFF, v2;
	vm0 =	vgt.s32 v11, $0xFFFFFFFF;
	v14 =	vxor.u32 v14, v15  }
.LBB2_10:
0xd9: {  	p0 =	sne.s32 s17, $0x7E00;
	v15 =	vld [tilespmem:s15+$0x70];
	v13 =	vxor.u32 v12, v13;
	v16 =	vsel vm0, $0xFFFFFFFF, v2;
	vm0 =	vgt.s32 v10, $0xFFFFFFFF;
	[tilespmem:s16+$0x2070] =	vst v14  }
0xda: {  	v12 =	vld [tilespmem:s15+$0x0];
	[tilespmem:s16+$0x2000] =	vst v13;
	v13 =	vxor.u32 v11, v16;
	v14 =	vsel vm0, $0xFFFFFFFF, v2;
	vm0 =	vgt.s32 v9, $0xFFFFFFFF  }
0xdb: {  	v11 =	vld [tilespmem:s15+$0x10];
	[tilespmem:s16+$0x2010] =	vst v13;
	v13 =	vxor.u32 v10, v14;
	v14 =	vsel vm0, $0xFFFFFFFF, v2;
	vm0 =	vgt.s32 v8, $0xFFFFFFFF  }
.Ltmp4:
0xdc: {  	v10 =	vld [tilespmem:s15+$0x20];
	[tilespmem:s16+$0x2020] =	vst v13;
	v13 =	vxor.u32 v9, v14;
	v14 =	vsel vm0, $0xFFFFFFFF, v2;
	vm0 =	vgt.s32 v7, $0xFFFFFFFF;
	(pc) =	sbr.rel @p0 .LBB2_10-.Ltmp4, $4  }
0xdd: {  	v9 =	vld [tilespmem:s15+$0x30];
	[tilespmem:s16+$0x2030] =	vst v13;
	v13 =	vxor.u32 v8, v14;
	v14 =	vsel vm0, $0xFFFFFFFF, v2;
	vm0 =	vgt.s32 v6, $0xFFFFFFFF  }
0xde: {  	v8 =	vld [tilespmem:s15+$0x40];
	vm1 =	vgt.s32 v15, $0xFFFFFFFF;
	[tilespmem:s16+$0x2040] =	vst v13;
	v13 =	vxor.u32 v7, v14;
	v14 =	vsel vm0, $0xFFFFFFFF, v2  }
0xdf: {  	vm0 =	vgt.s32 v12, $0xFFFFFFFF;
	v7 =	vld [tilespmem:s15+$0x50];
	v16 =	vsel vm1, $0xFFFFFFFF, v2;
	[tilespmem:s16+$0x2050] =	vst v13;
	v17 =	vxor.u32 v6, v14  }
0xe0: {  	v13 =	vsel vm0, $0xFFFFFFFF, v2;
	vm0 =	vgt.s32 v11, $0xFFFFFFFF;
	v6 =	vld [tilespmem:s15+$0x60];
	v14 =	vxor.u32 v15, v16;
	[tilespmem:s16+$0x2060] =	vst v17;
	s16 =	smov.u32 s15;
	s15 =	sshra.s32 s17, $0x2;
	s17 =	sadd.s32 $0x200, s17  }
0xe1: {  	v15 =	vld [tilespmem:s15+$0x70];
	[tilespmem:s16+$0x2070] =	vst v14;
	v12 =	vxor.u32 v12, v13;
	v56 =	vsel vm0, $0xFFFFFFFF, v2;
	vm15 =	vgt.s32 v10, $0xFFFFFFFF  }
0xe2: {  	v55 =	vld [tilespmem:s15+$0x0];
	[tilespmem:s16+$0x2000] =	vst v12;
	v11 =	vxor.u32 v11, v56;
	v57 =	vsel vm15, $0xFFFFFFFF, v2;
	vm4 =	vgt.s32 v9, $0xFFFFFFFF  }
0xe3: {  	v12 =	vld [tilespmem:s15+$0x10];
	[tilespmem:s16+$0x2010] =	vst v11;
	v10 =	vxor.u32 v10, v57;
	v58 =	vsel vm4, $0xFFFFFFFF, v2;
	vm5 =	vgt.s32 v8, $0xFFFFFFFF  }
0xe4: {  	v11 =	vld [tilespmem:s15+$0x20];
	[tilespmem:s16+$0x2020] =	vst v10;
	v9 =	vxor.u32 v9, v58;
	v59 =	vsel vm5, $0xFFFFFFFF, v2;
	vm6 =	vgt.s32 v7, $0xFFFFFFFF  }
0xe5: {  	v10 =	vld [tilespmem:s15+$0x30];
	[tilespmem:s16+$0x2030] =	vst v9;
	v8 =	vxor.u32 v8, v59;
	v60 =	vsel vm6, $0xFFFFFFFF, v2;
	vm7 =	vgt.s32 v6, $0xFFFFFFFF  }
0xe6: {  	v9 =	vld [tilespmem:s15+$0x40];
	[tilespmem:s16+$0x2040] =	vst v8;
	v7 =	vxor.u32 v7, v60;
	vm1 =	vgt.s32 v15, $0xFFFFFFFF;
	v61 =	vsel vm7, $0xFFFFFFFF, v2  }
0xe7: {  	v8 =	vld [tilespmem:s15+$0x50];
	[tilespmem:s16+$0x2050] =	vst v7;
	vm8 =	vgt.s32 v55, $0xFFFFFFFF;
	v7 =	vsel vm1, $0xFFFFFFFF, v2;
	v6 =	vxor.u32 v6, v61  }
0xe8: {  	v62 =	vld [tilespmem:s15+$0x60];
	v16 =	vsel vm8, $0xFFFFFFFF, v2;
	vm9 =	vgt.s32 v12, $0xFFFFFFFF;
	v7 =	vxor.u32 v15, v7;
	[tilespmem:s16+$0x2060] =	vst v6  }
0xe9: {  	v6 =	vxor.u32 v55, v16;
	v63 =	vsel vm9, $0xFFFFFFFF, v2;
	vm10 =	vgt.s32 v11, $0xFFFFFFFF;
	[tilespmem:s15+$0x2070] =	vst v7  }
0xea: {  	[tilespmem:s15+$0x2000] =	vst v6;
	v6 =	vxor.u32 v12, v63;
	v7 =	vsel vm10, $0xFFFFFFFF, v2;
	vm11 =	vgt.s32 v10, $0xFFFFFFFF  }
0xeb: {  	[tilespmem:s15+$0x2010] =	vst v6;
	v6 =	vxor.u32 v11, v7;
	v7 =	vsel vm11, $0xFFFFFFFF, v2;
	vm12 =	vgt.s32 v9, $0xFFFFFFFF  }
0xec: {  	[tilespmem:s15+$0x2020] =	vst v6;
	v6 =	vxor.u32 v10, v7;
	v7 =	vsel vm12, $0xFFFFFFFF, v2;
	vm13 =	vgt.s32 v8, $0xFFFFFFFF  }
0xed: {  	[tilespmem:s15+$0x2030] =	vst v6;
	v6 =	vxor.u32 v9, v7;
	v7 =	vsel vm13, $0xFFFFFFFF, v2;
	vm14 =	vgt.s32 v62, $0xFFFFFFFF  }
0xee: {  	[tilespmem:s15+$0x2040] =	vst v6;
	v6 =	vxor.u32 v8, v7;
	v7 =	vsel vm14, $0xFFFFFFFF, v2  }
0xef: {  	[tilespmem:s15+$0x2050] =	vst v6;
	v6 =	vxor.u32 v62, v7  }
0xf0: {  	[tilespmem:s15+$0x2060] =	vst v6  }
0xf1: {  	v6 =	vld [tilespmem:$0x2000];
	_ =	sdelay $0x3  }
0xf2: {  	vm15 =	veq.s32 v0, $0x0  }
0xf3: {  	v6 =	vsel vm15, $0x80000000, v6  }
0xf4: {  	v10 =	vimm.s32 $0x0;
	v7 =	vimm.s32 $0x80000000;
	s15 =	simm.s32 $0x0;
	[tilespmem:$0x2000] =	vst v6;
	v6 =	vimm.s32 $0x0  }
.LBB2_12:
0xf5: {  	s18 =	simm.s32 $0x0  }
0xf6: {  	v11 =	vld [tilespmem:s18+$0x2000]  }
0xf7: {  	v12 =	vld [tilespmem:s18+$0x2010]  }
0xf8: {  	v14 =	vld [tilespmem:s18+$0x2020]  }
0xf9: {  	v8 =	vor.u32 v10, v7;
	v15 =	vld [tilespmem:s18+$0x2030]  }
0xfa: {  	v9 =	vxor.u32 $0x80000000, v8;
	v13 =	vld [tilespmem:s18+$0x2040]  }
0xfb: {  	vm0 =	vlt.s32 v11, v9;
	v11 =	vld [tilespmem:s18+$0x2050]  }
0xfc: {  	v16 =	vmpcnt.ones.xlane vm0;
	vm0 =	vlt.s32 v12, v9;
	v12 =	vld [tilespmem:s18+$0x2060]  }
0xfd: {  	s16 =	simm.s32 $0x80;
	s17 =	simm.s32 $0x400;
	v18 =	vimm.s32 $0x0;
	v17 =	vmpcnt.ones.xlane vm0;
	vm0 =	vlt.s32 v14, v9;
	v14 =	vld [tilespmem:s18+$0x2070]  }
.LBB2_13:
0xfe: {  	p0 =	sne.s32 s17, $0x7E00;
	v19 =	vld [tilespmem:s16+$0x2000];
	v16 =	vadd.s32 v18, v16;
	v18 =	vmpcnt.ones.xlane vm0;
	vm0 =	vlt.s32 v15, v9  }
0xff: {  	v20 =	vld [tilespmem:s16+$0x2010];
	v15 =	vadd.s32 v17, v16;
	v16 =	vmpcnt.ones.xlane vm0;
	vm0 =	vlt.s32 v13, v9  }
0x100: {  	v21 =	vld [tilespmem:s16+$0x2020];
	v13 =	vadd.s32 v18, v15;
	v17 =	vmpcnt.ones.xlane vm0;
	vm0 =	vlt.s32 v11, v9  }
.Ltmp5:
0x101: {  	v15 =	vld [tilespmem:s16+$0x2030];
	v11 =	vadd.s32 v16, v13;
	v16 =	vmpcnt.ones.xlane vm0;
	vm0 =	vlt.s32 v12, v9;
	(pc) =	sbr.rel @p0 .LBB2_13-.Ltmp5, $4  }
0x102: {  	v13 =	vld [tilespmem:s16+$0x2040];
	v12 =	vadd.s32 v17, v11;
	v17 =	vmpcnt.ones.xlane vm0;
	vm0 =	vlt.s32 v14, v9  }
0x103: {  	vm1 =	vlt.s32 v19, v9;
	v11 =	vld [tilespmem:s16+$0x2050];
	v14 =	vadd.s32 v16, v12;
	v18 =	vmpcnt.ones.xlane vm0  }
0x104: {  	v16 =	vmpcnt.ones.xlane vm1;
	vm0 =	vlt.s32 v20, v9;
	v12 =	vld [tilespmem:s16+$0x2060];
	v19 =	vadd.s32 v17, v14  }
0x105: {  	v17 =	vmpcnt.ones.xlane vm0;
	vm0 =	vlt.s32 v21, v9;
	v14 =	vld [tilespmem:s16+$0x2070];
	s16 =	sshra.s32 s17, $0x2;
	s17 =	sadd.s32 $0x200, s17;
	v18 =	vadd.s32 v18, v19  }
0x106: {  	v19 =	vld [tilespmem:s16+$0x2000];
	v16 =	vadd.s32 v18, v16;
	v48 =	vmpcnt.ones.xlane vm0;
	vm15 =	vlt.s32 v15, v9  }
0x107: {  	v49 =	vld [tilespmem:s16+$0x2010];
	v16 =	vadd.s32 v17, v16;
	v50 =	vmpcnt.ones.xlane vm15;
	vm4 =	vlt.s32 v13, v9  }
0x108: {  	v51 =	vld [tilespmem:s16+$0x2020];
	v16 =	vadd.s32 v48, v16;
	v52 =	vmpcnt.ones.xlane vm4;
	vm5 =	vlt.s32 v11, v9  }
0x109: {  	v11 =	vld [tilespmem:s16+$0x2030];
	v16 =	vadd.s32 v50, v16;
	v53 =	vmpcnt.ones.xlane vm5;
	vm6 =	vlt.s32 v12, v9  }
0x10a: {  	v54 =	vld [tilespmem:s16+$0x2040];
	v16 =	vadd.s32 v52, v16;
	v55 =	vmpcnt.ones.xlane vm6;
	vm7 =	vlt.s32 v14, v9  }
0x10b: {  	v56 =	vld [tilespmem:s16+$0x2050];
	vm1 =	vlt.s32 v19, v9;
	v16 =	vadd.s32 v53, v16;
	v57 =	vmpcnt.ones.xlane vm7  }
0x10c: {  	v58 =	vld [tilespmem:s16+$0x2060];
	vm8 =	vlt.s32 v49, v9;
	v19 =	vmpcnt.ones.xlane vm1;
	v16 =	vadd.s32 v55, v16  }
0x10d: {  	v60 =	vld [tilespmem:s16+$0x2070];
	vm9 =	vlt.s32 v51, v9;
	v59 =	vmpcnt.ones.xlane vm8;
	v16 =	vadd.s32 v57, v16  }
0x10e: {  	v61 =	vmpcnt.ones.xlane vm9;
	vm10 =	vlt.s32 v11, v9;
	v16 =	vadd.s32 v16, v19  }
0x10f: {  	vm11 =	vlt.s32 v54, v9;
	v62 =	vmpcnt.ones.xlane vm10;
	v11 =	vadd.s32 v59, v16  }
0x110: {  	vm12 =	vlt.s32 v56, v9;
	v12 =	vmpcnt.ones.xlane vm11;
	v11 =	vadd.s32 v61, v11  }
0x111: {  	s15 =	sadd.s32 $0x1, s15;
	vm13 =	vlt.s32 v58, v9;
	v14 =	vmpcnt.ones.xlane vm12;
	v11 =	vadd.s32 v62, v11  }
0x112: {  	p0 =	sne.s32 s15, $0x20;
	vm14 =	vlt.s32 v60, v9;
	v63 =	vmpcnt.ones.xlane vm13;
	v11 =	vadd.s32 v12, v11  }
.Ltmp6:
0x113: {  	v9 =	vadd.s32 v14, v11;
	v11 =	vmpcnt.ones.xlane vm14;
	(pc) =	sbr.rel @p0 .LBB2_12-.Ltmp6, $4  }
0x114: {  	v9 =	vadd.s32 v63, v9  }
0x115: {  	v9 =	vadd.s32 v11, v9  }
0x116: {  	vm15 =	vgt.s32 v9, v5  }
0x117: {  	v7 =	vshrl.u32 v7, $0x1;
	v10 =	vsel vm15, v10, v8;
	v6 =	vsel vm15, v6, v9  }
0x118: {  	s15 =	simm.s32 $0x0  }
0x119: {  	v11 =	vld [tilespmem:s15+$0x2000]  }
0x11a: {  	v8 =	vld [tilespmem:s15+$0x2010]  }
0x11b: {  	v7 =	vld [tilespmem:s15+$0x2020]  }
0x11c: {  	v9 =	vld [tilespmem:s15+$0x2030]  }
0x11d: {  	v5 =	vxor.u32 $0x80000000, v10;
	v10 =	vld [tilespmem:s15+$0x2040]  }
0x11e: {  	v12 =	vld [tilespmem:s15+$0x2060]  }
0x11f: {  	v13 =	vld [tilespmem:s15+$0x2070];
	_ =	sdelay $0x1  }
0x120: {  	v4 =	vsub.s32 v4, v6  }
0x121: {  	v14 =	vimm.s32 $0x0;
	vm0 =	vlt.s32 v11, v5;
	vm1 =	veq.s32 v11, v5  }
0x122: {  	vm2 =	veq.s32 v8, v5;
	vm3 =	veq.s32 v7, v5;
	vm4 =	veq.s32 v9, v5  }
0x123: {  	v11 =	vld [tilespmem:s15+$0x2050];
	vm5 =	veq.s32 v10, v5;
	vm8 =	veq.s32 v12, v5;
	vm7 =	veq.s32 v13, v5  }
0x124: {  	v6 =	vsel vm1, $0x1, v3;
	v15 =	vmpcnt.ones.xlane vm1;
	v17 =	vmpcnt.ones.xlane vm2  }
0x125: {  	v16 =	vsel vm2, $0x1, v3;
	v19 =	vmpcnt.ones.xlane vm4;
	v22 =	vmpcnt.ones.xlane vm7  }
0x126: {  	v23 =	vsel vm4, $0x1, v3;
	v24 =	vsel vm5, $0x1, v3;
	v26 =	vsel vm8, $0x1, v3;
	(xrf0) =	vadd.scan.msk.s32 $0xffff, v6  }
0x127: {  	v57 =	vnsel vm1, $0x0, v1;
	v58 =	vnsel vm2, $0x0, v1;
	(xrf0) =	vadd.scan.msk.s32 $0xffff, v16;
	v16 =	vsel vm3, $0x1, v3  }
0x128: {  	v27 =	vsel vm7, $0x1, v3;
	v59 =	vnsel vm3, $0x0, v1;
	(xrf0) =	vadd.scan.msk.s32 $0xffff, v16;
	vm6 =	veq.s32 v11, v5  }
0x129: {  	v28 =	vnsel vm4, $0x0, v1;
	v29 =	vnsel vm5, $0x0, v1;
	(xrf0) =	vadd.scan.msk.s32 $0xffff, v23;
	v16 =	vsel vm6, $0x1, v3  }
0x12a: {  	v31 =	vnsel vm8, $0x0, v1;
	v18 =	vadd.s32 v14, v15;
	v15 =	vmpcnt.ones.xlane vm3;
	(xrf0) =	vadd.scan.msk.s32 $0xffff, v24  }
0x12b: {  	v32 =	vnsel vm7, $0x0, v1;
	v6 =	vmpcnt.ones.xlane vm8;
	v17 =	vadd.s32 v18, v17;
	(xrf0) =	vadd.scan.msk.s32 $0xffff, v16  }
0x12c: {  	v14 =	vsub.s32 v14, v57;
	v18 =	vsub.s32 v18, v58;
	v20 =	vadd.s32 v17, v15;
	v16, _, _ =	vpop (xrf0)  }
0x12d: {  	v15 =	vmpcnt.ones.xlane vm5;
	v17 =	vsub.s32 v17, v59;
	v19 =	vadd.s32 v20, v19;
	v60, _, _ =	vpop (xrf0)  }
0x12e: {  	v21 =	vmpcnt.ones.xlane vm6;
	(xrf0) =	vadd.scan.msk.s32 $0xffff, v26;
	v14 =	vadd.s32 v16, v14;
	v61, _, _ =	vpop (xrf0);
	v16 =	vadd.s32 v60, v18  }
0x12f: {  	v30 =	vnsel vm6, $0x0, v1;
	v20 =	vsub.s32 v20, v28;
	v15 =	vadd.s32 v19, v15;
	(xrf0) =	vadd.scan.msk.s32 $0xffff, v27;
	v62, _, _ =	vpop (xrf0)  }
0x130: {  	v19 =	vsub.s32 v19, v29;
	v21 =	vadd.s32 v15, v21;
	v30 =	vsub.s32 v15, v30;
	v63, _, _ =	vpop (xrf0)  }
0x131: {  	v25 =	vadd.s32 v21, v6;
	v17 =	vadd.s32 v61, v17;
	vm9 =	vlt.s32 v16, v4;
	v16, _, _ =	vpop (xrf0)  }
0x132: {  	v21 =	vsub.s32 v21, v31;
	v6 =	vadd.s32 v25, v22;
	v16 =	vadd.s32 v16, v30  }
0x133: {  	v15 =	vsub.s32 v25, v32;
	vm14 =	vlt.s32 v14, v4;
	v18 =	vadd.s32 v62, v20  }
0x134: {  	vm10 =	vlt.s32 v17, v4;
	v14 =	vadd.s32 v63, v19;
	vm11 =	vlt.s32 v18, v4;
	v17, _, _ =	vpop (xrf0)  }
0x135: {  	s16 =	simm.s32 $0x200;
	s17 =	simm.s32 $0x400;
	vm13 =	vlt.s32 v14, v4;
	vm12 =	vlt.s32 v16, v4;
	v14 =	vadd.s32 v17, v21;
	v16, _, _ =	vpop (xrf0)  }
.LBB2_16:
0x136: {  	p0 =	sne.s32 s17, $0x7E00;
	vm1 =	vmand vm1, vm14;
	vm14 =	vlt.s32 v14, v4;
	v15 =	vadd.s32 v16, v15;
	v14 =	vmovc v6  }
0x137: {  	vm2 =	vmand vm2, vm9;
	vm8 =	vmand vm8, vm14;
	vm9 =	vlt.s32 v15, v4  }
0x138: {  	vm3 =	vmand vm3, vm10;
	vm4 =	vmand vm4, vm11;
	vm7 =	vmand vm7, vm9  }
0x139: {  	vm5 =	vmand vm5, vm13;
	vm6 =	vmand vm6, vm12;
	vm9 =	vlt.s32 v8, v5  }
0x13a: {  	vm10 =	vlt.s32 v7, v5;
	vm11 =	vlt.s32 v9, v5;
	vm12 =	vlt.s32 v10, v5  }
0x13b: {  	s18 =	sshra.s32 s16, $0x2;
	vm13 =	vlt.s32 v11, v5;
	vm15 =	vlt.s32 v13, v5;
	s16 =	smov.u32 s17;
	vm14 =	vlt.s32 v12, v5  }
0x13c: {  	vm0 =	vmor vm0, vm1;
	vm1 =	vmor vm14, vm8;
	vm7 =	vmor vm15, vm7;
	v11 =	vld [tilespmem:s18+$0x2000]  }
0x13d: {  	vm3 =	vmor vm10, vm3;
	vm4 =	vmor vm11, vm4;
	vm2 =	vmor vm9, vm2;
	v8 =	vld [tilespmem:s18+$0x2010]  }
0x13e: {  	vm5 =	vmor vm12, vm5;
	vm6 =	vmor vm13, vm6;
	v10 =	vsel vm7, $0x1, v3;
	v7 =	vld [tilespmem:s18+$0x2020]  }
0x13f: {  	v12 =	vsel vm0, $0x1, v3;
	v15 =	vsel vm1, $0x1, v3;
	v13 =	vsel vm2, $0x1, v3;
	v9 =	vld [tilespmem:s18+$0x2030];
	[tilespmem:s15+$0x4070] =	vst v10  }
0x140: {  	v16 =	vsel vm3, $0x1, v3;
	v17 =	vsel vm4, $0x1, v3;
	v18 =	vsel vm5, $0x1, v3;
	v10 =	vld [tilespmem:s18+$0x2040];
	[tilespmem:s15+$0x4060] =	vst v15  }
0x141: {  	v15 =	vsel vm6, $0x1, v3;
	vm0 =	vlt.s32 v11, v5;
	vm1 =	veq.s32 v11, v5;
	v11 =	vld [tilespmem:s18+$0x2050];
	[tilespmem:s15+$0x4000] =	vst v12  }
0x142: {  	v19 =	vsel vm1, $0x1, v3;
	v20 =	vmpcnt.ones.xlane vm1;
	vm2 =	veq.s32 v8, v5;
	v12 =	vld [tilespmem:s18+$0x2060];
	[tilespmem:s15+$0x4010] =	vst v13  }
0x143: {  	v21 =	vsel vm2, $0x1, v3;
	v22 =	vmpcnt.ones.xlane vm2;
	vm3 =	veq.s32 v7, v5;
	v13 =	vld [tilespmem:s18+$0x2070];
	(xrf0) =	vadd.scan.msk.s32 $0xffff, v19  }
0x144: {  	v19 =	vadd.s32 v6, v20;
	v6 =	vmpcnt.ones.xlane vm3;
	vm4 =	veq.s32 v9, v5;
	(xrf0) =	vadd.scan.msk.s32 $0xffff, v21  }
0x145: {  	v20 =	vadd.s32 v19, v22;
	v21 =	vmpcnt.ones.xlane vm4;
	vm5 =	veq.s32 v10, v5;
	[tilespmem:s15+$0x4020] =	vst v16  }
0x146: {  	v16 =	vadd.s32 v20, v6;
	v6 =	vmpcnt.ones.xlane vm5;
	vm6 =	veq.s32 v11, v5;
	[tilespmem:s15+$0x4030] =	vst v17  }
0x147: {  	v17 =	vadd.s32 v16, v21;
	v21 =	vmpcnt.ones.xlane vm6;
	vm8 =	veq.s32 v12, v5;
	[tilespmem:s15+$0x4040] =	vst v18  }
0x148: {  	v18 =	vadd.s32 v17, v6;
	v6 =	vmpcnt.ones.xlane vm8;
	vm7 =	veq.s32 v13, v5;
	[tilespmem:s15+$0x4050] =	vst v15;
	s15 =	smov.u32 s18  }
0x149: {  	v15 =	vsel vm3, $0x1, v3;
	v21 =	vadd.s32 v18, v21;
	v22 =	vmpcnt.ones.xlane vm7;
	v23, _, _ =	vpop (xrf0)  }
0x14a: {  	v24 =	vsel vm4, $0x1, v3;
	v25 =	vsel vm5, $0x1, v3;
	v26 =	vadd.s32 v21, v6;
	v27, _, _ =	vpop (xrf0);
	(xrf0) =	vadd.scan.msk.s32 $0xffff, v15  }
0x14b: {  	v28 =	vsel vm8, $0x1, v3;
	v15 =	vsel vm6, $0x1, v3;
	v6 =	vadd.s32 v26, v22;
	(xrf0) =	vadd.scan.msk.s32 $0xffff, v24  }
0x14c: {  	v29 =	vsel vm7, $0x1, v3;
	v22 =	vnsel vm1, $0x0, v1;
	v24 =	vnsel vm2, $0x0, v1;
	(xrf0) =	vadd.scan.msk.s32 $0xffff, v25  }
0x14d: {  	v30 =	vnsel vm4, $0x0, v1;
	v31 =	vnsel vm5, $0x0, v1;
	v25 =	vnsel vm3, $0x0, v1;
	(xrf0) =	vadd.scan.msk.s32 $0xffff, v15  }
0x14e: {  	v32 =	vnsel vm8, $0x0, v1;
	v33 =	vnsel vm7, $0x0, v1;
	v15 =	vnsel vm6, $0x0, v1;
	(xrf0) =	vadd.scan.msk.s32 $0xffff, v28  }
0x14f: {  	v21 =	vsub.s32 v21, v32;
	v18 =	vsub.s32 v18, v15;
	v15 =	vsub.s32 v26, v33;
	(xrf0) =	vadd.scan.msk.s32 $0xffff, v29  }
0x150: {  	v16 =	vsub.s32 v16, v30;
	v17 =	vsub.s32 v17, v31;
	v20 =	vsub.s32 v20, v25;
	v25, _, _ =	vpop (xrf0)  }
.Ltmp7:
0x151: {  	v14 =	vsub.s32 v14, v22;
	v19 =	vsub.s32 v19, v24;
	v20 =	vadd.s32 v25, v20;
	v22, _, _ =	vpop (xrf0);
	(pc) =	sbr.rel @p0 .LBB2_16-.Ltmp7, $4  }
0x152: {  	v14 =	vadd.s32 v23, v14;
	v19 =	vadd.s32 v27, v19;
	v16 =	vadd.s32 v22, v16;
	v22, _, _ =	vpop (xrf0)  }
0x153: {  	vm14 =	vlt.s32 v14, v4;
	vm9 =	vlt.s32 v19, v4;
	v14 =	vadd.s32 v22, v17;
	v17, _, _ =	vpop (xrf0)  }
0x154: {  	vm10 =	vlt.s32 v20, v4;
	vm11 =	vlt.s32 v16, v4;
	v18 =	vadd.s32 v17, v18;
	v17, _, _ =	vpop (xrf0)  }
0x155: {  	s17 =	sadd.s32 $0x200, s17;
	vm13 =	vlt.s32 v14, v4;
	vm12 =	vlt.s32 v18, v4;
	v14 =	vadd.s32 v17, v21;
	v16, _, _ =	vpop (xrf0)  }
0x156: {  	vm1 =	vmand vm1, vm14;
	vm14 =	vlt.s32 v14, v4  }
0x157: {  	v57 =	vadd.s32 v16, v15;
	vm2 =	vmand vm2, vm9;
	vm3 =	vmand vm3, vm10  }
0x158: {  	vm4 =	vmand vm4, vm11;
	vm9 =	vlt.s32 v8, v5;
	vm5 =	vmand vm5, vm13  }
0x159: {  	vm6 =	vmand vm6, vm12;
	vm10 =	vlt.s32 v7, v5;
	vm11 =	vlt.s32 v13, v5  }
0x15a: {  	s16 =	sshra.s32 s16, $0x2;
	vm12 =	vlt.s32 v9, v5;
	vm13 =	vlt.s32 v10, v5;
	vm8 =	vmand vm8, vm14  }
0x15b: {  	vm15 =	vlt.s32 v57, v4;
	v58 =	vld [tilespmem:s16+$0x2000];
	vm14 =	vlt.s32 v12, v5;
	vm0 =	vmor vm0, vm1  }
0x15c: {  	v7 =	vld [tilespmem:s16+$0x2010];
	vm2 =	vmor vm9, vm2;
	vm3 =	vmor vm10, vm3;
	vm4 =	vmor vm12, vm4  }
0x15d: {  	v9 =	vld [tilespmem:s16+$0x2020];
	vm13 =	vmor vm13, vm5;
	vm7 =	vmand vm7, vm15;
	vm8 =	vmor vm14, vm8  }
0x15e: {  	v61 =	vsel vm0, $0x1, v3;
	v62 =	vsel vm2, $0x1, v3;
	v63 =	vsel vm3, $0x1, v3  }
0x15f: {  	v36 =	vsel vm4, $0x1, v3;
	vm7 =	vmor vm11, vm7;
	vm11 =	vlt.s32 v11, v5  }
0x160: {  	v17 =	vsel vm13, $0x1, v3;
	v60 =	vsel vm8, $0x1, v3;
	vm14 =	vmor vm11, vm6  }
0x161: {  	v11 =	vld [tilespmem:s16+$0x2030];
	v59 =	vsel vm7, $0x1, v3;
	v38 =	vsel vm14, $0x1, v3;
	vm0 =	vlt.s32 v58, v5  }
0x162: {  	[tilespmem:s15+$0x4070] =	vst v59;
	vm3 =	veq.s32 v58, v5;
	vm4 =	veq.s32 v7, v5;
	vm5 =	veq.s32 v9, v5  }
0x163: {  	v12 =	vld [tilespmem:s16+$0x2040];
	v39 =	vmpcnt.ones.xlane vm3;
	v19 =	vsel vm3, $0x1, v3;
	v40 =	vmpcnt.ones.xlane vm4  }
0x164: {  	[tilespmem:s15+$0x4060] =	vst v60;
	v21 =	vmpcnt.ones.xlane vm5;
	v25 =	vsel vm4, $0x1, v3;
	v43 =	vsel vm5, $0x1, v3  }
0x165: {  	v37 =	vld [tilespmem:s16+$0x2050];
	v45 =	vnsel vm3, $0x0, v1;
	v29 =	vnsel vm4, $0x0, v1;
	v46 =	vnsel vm5, $0x0, v1  }
0x166: {  	[tilespmem:s15+$0x4000] =	vst v61;
	vm6 =	veq.s32 v11, v5;
	v52 =	vsub.s32 v6, v45;
	v13 =	vadd.s32 v6, v39  }
0x167: {  	v18 =	vld [tilespmem:s16+$0x2060];
	[tilespmem:s15+$0x4010] =	vst v62;
	v22 =	vmpcnt.ones.xlane vm6;
	v26 =	vsel vm6, $0x1, v3;
	v31 =	vnsel vm6, $0x0, v1  }
0x168: {  	v20 =	vld [tilespmem:s16+$0x2070];
	v10 =	vadd.s32 v13, v40;
	v13 =	vsub.s32 v13, v29;
	vm1 =	veq.s32 v12, v5  }
0x169: {  	(xrf0) =	vadd.scan.msk.s32 $0xffff, v19;
	v21 =	vadd.s32 v10, v21;
	v10 =	vsub.s32 v10, v46;
	v23 =	vmpcnt.ones.xlane vm1  }
0x16a: {  	(xrf0) =	vadd.scan.msk.s32 $0xffff, v25;
	vm2 =	veq.s32 v37, v5;
	v22 =	vadd.s32 v21, v22;
	v27 =	vsel vm1, $0x1, v3  }
0x16b: {  	(xrf0) =	vadd.scan.msk.s32 $0xffff, v43;
	v50 =	vnsel vm1, $0x0, v1;
	v21 =	vsub.s32 v21, v31;
	v24 =	vmpcnt.ones.xlane vm2  }
0x16c: {  	(xrf0) =	vadd.scan.msk.s32 $0xffff, v26;
	vm7 =	veq.s32 v18, v5;
	v44 =	vsel vm2, $0x1, v3;
	v47 =	vnsel vm2, $0x0, v1  }
0x16d: {  	(xrf0) =	vadd.scan.msk.s32 $0xffff, v27;
	v41 =	vadd.s32 v22, v23;
	v42 =	vmpcnt.ones.xlane vm7;
	vm8 =	veq.s32 v20, v5  }
0x16e: {  	v28 =	vsel vm7, $0x1, v3;
	(xrf0) =	vadd.scan.msk.s32 $0xffff, v44;
	v32 =	vnsel vm7, $0x0, v1;
	v22 =	vsub.s32 v22, v50  }
0x16f: {  	v33, _, _ =	vpop (xrf0);
	v24 =	vadd.s32 v41, v24;
	v30 =	vsel vm8, $0x1, v3;
	(xrf0) =	vadd.scan.msk.s32 $0xffff, v28;
	v19 =	vsub.s32 v41, v47  }
0x170: {  	v48 =	vnsel vm8, $0x0, v1;
	v49, _, _ =	vpop (xrf0);
	v6 =	vadd.s32 v33, v52;
	v23 =	vadd.s32 v24, v42;
	(xrf0) =	vadd.scan.msk.s32 $0xffff, v30  }
0x171: {  	v24 =	vsub.s32 v24, v32;
	v51, _, _ =	vpop (xrf0);
	v13 =	vadd.s32 v49, v13;
	vm9 =	vlt.s32 v6, v4  }
0x172: {  	v23 =	vsub.s32 v23, v48;
	v10 =	vadd.s32 v51, v10;
	v53, _, _ =	vpop (xrf0);
	vm10 =	vlt.s32 v13, v4  }
0x173: {  	vm3 =	vmand vm3, vm9;
	vm9 =	vlt.s32 v20, v5;
	v21 =	vadd.s32 v53, v21;
	v54, _, _ =	vpop (xrf0)  }
0x174: {  	vm11 =	vlt.s32 v10, v4;
	vm4 =	vmand vm4, vm10;
	vm0 =	vmor vm0, vm3;
	v56, _, _ =	vpop (xrf0)  }
0x175: {  	vm12 =	vlt.s32 v21, v4;
	vm5 =	vmand vm5, vm11;
	vm11 =	vlt.s32 v9, v5;
	v58, _, _ =	vpop (xrf0)  }
0x176: {  	v55 =	vadd.s32 v54, v22;
	vm6 =	vmand vm6, vm12;
	v59 =	vadd.s32 v58, v24;
	v60, _, _ =	vpop (xrf0)  }
0x177: {  	[tilespmem:s15+$0x4020] =	vst v63;
	vm12 =	vlt.s32 v7, v5;
	vm15 =	vlt.s32 v59, v4;
	v61 =	vadd.s32 v60, v23  }
0x178: {  	[tilespmem:s15+$0x4030] =	vst v36;
	v57 =	vadd.s32 v56, v19;
	vm7 =	vmand vm7, vm15;
	vm15 =	vlt.s32 v61, v4  }
0x179: {  	[tilespmem:s15+$0x4040] =	vst v17;
	vm13 =	vlt.s32 v55, v4;
	vm4 =	vmor vm12, vm4;
	vm8 =	vmand vm8, vm15  }
0x17a: {  	[tilespmem:s15+$0x4050] =	vst v38;
	v63 =	vsel vm4, $0x1, v3;
	vm15 =	vlt.s32 v18, v5;
	vm8 =	vmor vm9, vm8  }
0x17b: {  	vm14 =	vlt.s32 v57, v4;
	[tilespmem:s16+$0x4010] =	vst v63;
	vm7 =	vmor vm15, vm7;
	v4 =	vsel vm8, $0x1, v3  }
0x17c: {  	vm3 =	vmor vm11, vm5;
	vm12 =	vlt.s32 v11, v5;
	v62 =	vsel vm7, $0x1, v3;
	[tilespmem:s16+$0x4070] =	vst v4  }
0x17d: {  	vm1 =	vmand vm1, vm13;
	vm13 =	vlt.s32 v12, v5;
	v4 =	vsel vm0, $0x1, v3;
	[tilespmem:s16+$0x4060] =	vst v62  }
0x17e: {  	vm2 =	vmand vm2, vm14;
	vm0 =	vmor vm12, vm6;
	[tilespmem:s16+$0x4000] =	vst v4;
	v4 =	vsel vm3, $0x1, v3  }
0x17f: {  	vm14 =	vlt.s32 v37, v5;
	vm1 =	vmor vm13, vm1;
	v5 =	vsel vm0, $0x1, v3;
	[tilespmem:s16+$0x4020] =	vst v4  }
0x180: {  	s14 =	sadd.s32 $0x1, s14;
	vm15 =	vmor vm14, vm2;
	v4 =	vsel vm1, $0x1, v3;
	[tilespmem:s16+$0x4030] =	vst v5  }
0x181: {  	p0 =	sne.s32 s14, s8;
	v5 =	vsel vm15, $0x1, v3;
	[tilespmem:s16+$0x4040] =	vst v4  }
.Ltmp8:
0x182: {  	[tilespmem:s16+$0x4050] =	vst v5;
	(pc) =	sbr.rel @p0 .LBB2_1-.Ltmp8, $4  }
0x183: {  	[hbm4b:s7+s11] =	stream.strided.scatter [tilespmem:s13], [sflag:$0x1], $0x2000, s12, s11, $0x38;
	[tilespmem:$0x6080] =	vst v63  }
0x184: {  	_ =	swait.ge [sflag:s10], $0x2000  }
0x185: {  	[sflag:s10] =	ssyncset.done $0x0  }
0x186: {  	[sflag:s10] =	ssyncadd.s32 $0xFFFFE000  }
0x187: {  	_ =	sfence.sel $0x180000  }
0x188: {  	[bflag:$0x0] =	sbarrier.arrive $0xFFFF  }
0x189: {  	p0 =	sne.s32 s2, $0x0;
	_ =	strace $0x90000047  }
0x18a: {  	s0 =	sadd.s32 @!p0 $0x100000, s0;
	[bflag:$0x2] =	sbarrier.arrive $0xFFFF  }
0x18b: {  	[sflag:s0] =	ssyncadd.tile.s32 @!p0 $0x1;
	_ =	shalt  }
.Lfunc_end2:
_tile_overlayer_lowered:
.L_overlay_start_2:
0x18c: {  	(tag) =	ssettag $0x2  }
0x18d: {  	s0 =	rddreg [dreg:$0x0];
	s2 =	stileid.u32  }
0x18e: {  	s1 =	rddreg [dreg:$0x1];
	p0 =	sne.s32 s2, $0x0  }
0x18f: {  	s3 =	rddreg [dreg:$0x2];
	[bflag:$0x3] =	sbarrier.arrive $0xFFFF;
	s2 =	simm.s32 @!p0 $0x1C01  }
0x190: {  	[timem:s3], [sflag:s2] =	dma.local @!p0 [hbm:s0], s1  }
0x191: {  	s0 =	simm.s32 @!p0 $0x1  }
0x192: {  	_ =	swait.ge @!p0 [sflag:s0], s1  }
0x193: {  	s1 =	ssub.s32 @!p0 $0x0, s1;
	[sflag:s0] =	ssyncset.done @!p0 $0x0  }
0x194: {  	[sflag:s0] =	ssyncadd.s32 @!p0 s1  }
0x195: {  	[bflag:$0x3] =	sbarrier.arrive $0xFFFF  }
0x196: {  	_ =	shalt  }

</sc_bundles>
